<compile_context>
chip_gen: v7x
topology: tpu7x:2x2x1
jax: 0.10.2.dev20260603
libtpu: 0.0.44.dev20260713+nightly
codegen_flags: <defaults>
</compile_context>

<pallas_src>
import functools

import jax
import jax.numpy as jnp
from jax import lax
from jax.experimental import pallas as pl
from jax.experimental.pallas import tpu as pltpu
from jax.experimental.pallas import tpu_sc as plsc

N = 10000
E = 320000
D = 128
NC, NS = 2, 16
NW = NC * NS
K = 128
CHUNKS = 80
EPT = CHUNKS * K
EPAD = NW * EPT
NPAD = 10240
RPT = NPAD // NS
SROWS = 80
NSTEP = RPT // SROWS

_mesh = plsc.VectorSubcoreMesh(
    core_axis_name="c", subcore_axis_name="s", num_cores=NC, num_subcores=NS)


def _deg_body(dst_hbm, ones_hbm, zeros_hbm, out_hbm,
              di0, di1, ones_v, slab_v, deg_sh, isem0, isem1):
    c = lax.axis_index("c")
    s = lax.axis_index("s")
    wid = s * NC + c
    row0 = s * RPT

    pltpu.sync_copy(ones_hbm, ones_v)

    pltpu.sync_copy(zeros_hbm, slab_v)

    def _zstep(j, _):
        pltpu.sync_copy(slab_v, deg_sh.at[pl.ds(row0 + j * SROWS, SROWS)])
        return 0
    lax.fori_loop(0, RPT // SROWS, _zstep, 0)
    plsc.subcore_barrier()

    base = wid * CHUNKS
    pltpu.async_copy(dst_hbm.at[pl.ds(base * K, K)], di0, isem0)

    def _pair(t, _):
        k0 = 2 * t
        pltpu.async_copy(dst_hbm.at[pl.ds((base + k0 + 1) * K, K)], di1,
                         isem1)
        pltpu.make_async_copy(
            dst_hbm.at[pl.ds((base + k0) * K, K)], di0, isem0).wait()
        pltpu.sync_copy(ones_v, deg_sh.at[di0], add=True)

        @pl.when(t < CHUNKS // 2 - 1)
        def _():
            pltpu.async_copy(dst_hbm.at[pl.ds((base + k0 + 2) * K, K)], di0,
                             isem0)
        pltpu.make_async_copy(
            dst_hbm.at[pl.ds((base + k0 + 1) * K, K)], di1, isem1).wait()
        pltpu.sync_copy(ones_v, deg_sh.at[di1], add=True)
        return 0
    lax.fori_loop(0, CHUNKS // 2, _pair, 0)

    plsc.subcore_barrier()

    def _dstep(j, _):
        pltpu.sync_copy(deg_sh.at[pl.ds(row0 + j * SROWS, SROWS)], slab_v)
        pltpu.sync_copy(
            slab_v, out_hbm.at[pl.ds(c * NPAD + row0 + j * SROWS, SROWS)])
        return 0
    lax.fori_loop(0, RPT // SROWS, _dstep, 0)


_deg_call = functools.partial(
    pl.kernel,
    out_type=jax.ShapeDtypeStruct((NC * NPAD, D), jnp.float32),
    mesh=_mesh,
    scratch_types=[
        pltpu.VMEM((K,), jnp.int32),
        pltpu.VMEM((K,), jnp.int32),
        pltpu.VMEM((K, D), jnp.float32),
        pltpu.VMEM((SROWS, D), jnp.float32),
        pltpu.VMEM_SHARED((NPAD, D), jnp.float32),
        pltpu.SemaphoreType.DMA,
        pltpu.SemaphoreType.DMA,
    ],
)(_deg_body)


def _scat_body(xp_hbm, src_hbm, dst_hbm, zeros_hbm, out_hbm,
               si0, di0, si1, di1, rows0, rows1, slab_v, acc_sh,
               gsem0, gsem1):
    c = lax.axis_index("c")
    s = lax.axis_index("s")
    wid = s * NC + c
    row0 = s * RPT

    pltpu.sync_copy(zeros_hbm, slab_v)

    def _zstep(j, _):
        pltpu.sync_copy(slab_v, acc_sh.at[pl.ds(row0 + j * SROWS, SROWS)])
        return 0
    lax.fori_loop(0, NSTEP, _zstep, 0)
    plsc.subcore_barrier()

    base = wid * CHUNKS

    def _stage(k, si, di):
        eoff = (base + k) * K
        pltpu.sync_copy(src_hbm.at[pl.ds(eoff, K)], si)
        pltpu.sync_copy(dst_hbm.at[pl.ds(eoff, K)], di)

    _stage(0, si0, di0)
    pltpu.async_copy(xp_hbm.at[si0], rows0, gsem0)

    TPAIR = CHUNKS // 2

    def _pair(t, _):
        k0 = 2 * t
        _stage(k0 + 1, si1, di1)
        pltpu.async_copy(xp_hbm.at[si1], rows1, gsem1)
        pltpu.make_async_copy(xp_hbm.at[si0], rows0, gsem0).wait()
        pltpu.sync_copy(rows0, acc_sh.at[di0], add=True)

        @pl.when(t < TPAIR - 1)
        def _():
            _stage(k0 + 2, si0, di0)
            pltpu.async_copy(xp_hbm.at[si0], rows0, gsem0)
        pltpu.make_async_copy(xp_hbm.at[si1], rows1, gsem1).wait()
        pltpu.sync_copy(rows1, acc_sh.at[di1], add=True)
        return 0
    lax.fori_loop(0, TPAIR, _pair, 0)

    plsc.subcore_barrier()

    def _dstep(j, _):
        pltpu.sync_copy(acc_sh.at[pl.ds(row0 + j * SROWS, SROWS)], slab_v)
        pltpu.sync_copy(
            slab_v, out_hbm.at[pl.ds(c * NPAD + row0 + j * SROWS, SROWS)])
        return 0
    lax.fori_loop(0, NSTEP, _dstep, 0)


_scat_call = functools.partial(
    pl.kernel,
    out_type=jax.ShapeDtypeStruct((NC * NPAD, D), jnp.float32),
    mesh=_mesh,
    scratch_types=[
        pltpu.VMEM((K,), jnp.int32),
        pltpu.VMEM((K,), jnp.int32),
        pltpu.VMEM((K,), jnp.int32),
        pltpu.VMEM((K,), jnp.int32),
        pltpu.VMEM((K, D), jnp.float32),
        pltpu.VMEM((K, D), jnp.float32),
        pltpu.VMEM((SROWS, D), jnp.float32),
        pltpu.VMEM_SHARED((NPAD, D), jnp.float32),
        pltpu.SemaphoreType.DMA,
        pltpu.SemaphoreType.DMA,
    ],
)(_scat_body)


def _pre_body(dp_ref, x_ref, xp_ref, dinv_ref):
    deg = dp_ref[0:NPAD, 0:1] + dp_ref[NPAD:2 * NPAD, 0:1]
    pos = deg > 0.0
    dinv = jnp.where(pos, lax.rsqrt(jnp.where(pos, deg, 1.0)), 0.0)
    dinv_ref[...] = dinv
    xp_ref[...] = x_ref[...] * dinv


_pre_call = pl.pallas_call(
    _pre_body,
    out_shape=(jax.ShapeDtypeStruct((NPAD, D), jnp.float32),
               jax.ShapeDtypeStruct((NPAD, 1), jnp.float32)),
)


def _post_body(acc_ref, dinv_ref, o_ref):
    o_ref[...] = (acc_ref[0:N, :] + acc_ref[NPAD:NPAD + N, :]) * dinv_ref[0:N]


_post_call = pl.pallas_call(
    _post_body,
    out_shape=jax.ShapeDtypeStruct((N, D), jnp.float32),
)


def kernel(x, edge_index):
    src = edge_index[0].astype(jnp.int32)
    dst = edge_index[1].astype(jnp.int32)
    padidx = jnp.full((EPAD - E,), N, jnp.int32)
    src_p = jnp.concatenate([src, padidx])
    dst_p = jnp.concatenate([dst, padidx])
    x_pad = jnp.pad(x, ((0, NPAD - N), (0, 0)))

    ones_d = jnp.ones((K, D), jnp.float32)
    zeros_d = jnp.zeros((SROWS, D), jnp.float32)

    dp = _deg_call(dst_p, ones_d, zeros_d)
    xp, dinv = _pre_call(dp, x_pad)
    acc = _scat_call(xp, src_p, dst_p, zeros_d)
    return _post_call(acc, dinv)

# --- scband reference (transcript-rebuilt; emitter-appended) ---
"""Pipeline reference for scband-en-gcn-87196426043563 (READ-ONLY COPY).

The authoritative reference and input builder live on the scoring server;
editing this copy changes nothing except your own understanding.
"""

import jax, jax.numpy as jnp
import numpy as np

N_NODES = 10000
N_EDGES = 320000
D_FEAT = 128


def setup_inputs(seed: int = 0) -> dict:
    key = jax.random.key(seed)
    k1, k2 = jax.random.split(key)
    x = jax.random.normal(k1, (N_NODES, D_FEAT), dtype=jnp.float32)
    edge_index = jax.random.randint(k2, (2, N_EDGES), 0, N_NODES, dtype=jnp.int32)
    return {"x": x, "edge_index": edge_index}


def reference(x, edge_index):
    # EnGCN.propagate: out = D^{-1/2} A_t D^{-1/2} @ x
    # adj_t is the (transposed) adjacency; edge e goes src -> dst, so
    # (A_t @ x)[dst] = sum_{e: dst(e)=dst} x[src(e)].
    src = edge_index[0]
    dst = edge_index[1]
    n = x.shape[0]
    ones = jnp.ones((src.shape[0],), dtype=x.dtype)
    # deg = adj_t.sum(dim=1): row sums = number of incoming edges per dst node
    deg = jnp.zeros((n,), dtype=x.dtype).at[dst].add(ones)
    safe_deg = jnp.where(deg > 0, deg, 1.0)
    deg_inv_sqrt = jnp.where(deg > 0, jax.lax.rsqrt(safe_deg), 0.0)
    # symmetric normalization: norm_e = d^{-1/2}[dst] * d^{-1/2}[src]
    norm = deg_inv_sqrt[dst] * deg_inv_sqrt[src]
    # gather source features, scale, scatter-add into destination rows
    msg = x[src] * norm[:, None]
    out = jnp.zeros_like(x).at[dst].add(msg)
    return out

if __name__ == "__main__":
    import jax
    _d = setup_inputs()
    print(jax.jit(kernel)(*tuple(_d.values())))

</pallas_src>

<mosaic_0001>
#map = affine_map<(d0, d1) -> (0, 0)>
#map1 = affine_map<(d0, d1) -> (0)>
module attributes {stable_mosaic.version = 14 : i64} {
  func.func @_scat_body(%arg0: i32, %arg1: i32, %arg2: memref<10240x128xf32, #tpu.memory_space<hbm>>, %arg3: memref<327680xi32, #tpu.memory_space<hbm>>, %arg4: memref<327680xi32, #tpu.memory_space<hbm>>, %arg5: memref<80x128xf32, #tpu.memory_space<hbm>>, %arg6: memref<20480x128xf32, #tpu.memory_space<hbm>>, %arg7: memref<128xi32, #tpu.memory_space<vmem>>, %arg8: memref<128xi32, #tpu.memory_space<vmem>>, %arg9: memref<128xi32, #tpu.memory_space<vmem>>, %arg10: memref<128xi32, #tpu.memory_space<vmem>>, %arg11: memref<128x128xf32, #tpu.memory_space<vmem>>, %arg12: memref<128x128xf32, #tpu.memory_space<vmem>>, %arg13: memref<80x128xf32, #tpu.memory_space<vmem>>, %arg14: memref<10240x128xf32, #tpu.memory_space<vmem_shared>>, %arg15: memref<!tpu.dma_semaphore, #tpu.memory_space<semaphore_mem>>, %arg16: memref<!tpu.dma_semaphore, #tpu.memory_space<semaphore_mem>>) attributes {dimension_semantics = [#tpu.dimension_semantics<core_parallel>, #tpu.dimension_semantics<subcore_parallel>], iteration_bounds = array<i64: 2, 16>, scalar_prefetch = 0 : i64, scratch_operands = 10 : i64, tpu.core_type = #tpu.core_type<sc_vector_subcore>, window_params = [{transform_indices = #map}, {transform_indices = #map1}, {transform_indices = #map1}, {transform_indices = #map}, {transform_indices = #map}]} {
    %mul3A = arith.constant 2 : i32
    %mul3A_0 = arith.muli %arg1, %mul3A : i32
    %add3A = arith.addi %mul3A_0, %arg0 : i32
    %mul3A_1 = arith.constant 640 : i32
    %mul3A_2 = arith.muli %arg1, %mul3A_1 : i32
    "tpu.region"() ({
      %run_scoped3A = tpu.sem_alloc : memref<!tpu.dma_semaphore, #tpu.memory_space<semaphore_mem>>
      tpu.enqueue_dma source(%arg5 : memref<80x128xf32, #tpu.memory_space<hbm>>) target(%arg13 : memref<80x128xf32, #tpu.memory_space<vmem>>) target_semaphore(%run_scoped3A : memref<!tpu.dma_semaphore, #tpu.memory_space<semaphore_mem>>)
      tpu.wait_dma2 semaphore(%run_scoped3A : memref<!tpu.dma_semaphore, #tpu.memory_space<semaphore_mem>>) src(%arg5 : memref<80x128xf32, #tpu.memory_space<hbm>>) dst(%arg13 : memref<80x128xf32, #tpu.memory_space<vmem>>)
      tpu.yield
    }) : () -> ()
    %scan3A = arith.constant 0 : i32
    %scan3A_3 = arith.constant 0 : i32
    %scan3A_4 = arith.constant 8 : i32
    %scan3A_5 = arith.addi %scan3A_3, %scan3A_4 : i32
    %scan3A_6 = arith.constant 1 : i32
    %scan3A_7 = scf.for %scan3A_32 = %scan3A_3 to %scan3A_5 step %scan3A_6 iter_args(%scan3A_33 = %scan3A) -> (i32)  : i32 {
      %mul3A_34 = arith.constant 80 : i32
      %mul3A_35 = arith.muli %scan3A_32, %mul3A_34 : i32
      %add3A_36 = arith.addi %mul3A_2, %mul3A_35 : i32
      "tpu.region"() ({
        %run_scoped3A = tpu.sem_alloc : memref<!tpu.dma_semaphore, #tpu.memory_space<semaphore_mem>>
        %dma_start3A_38 = arith.constant 0 : i32
        %dma_start3A_39 = tpu.memref_slice %arg14[%add3A_36, %dma_start3A_38] : memref<10240x128xf32, #tpu.memory_space<vmem_shared>> -> memref<80x128xf32, #tpu.memory_space<vmem_shared>>
        %dma_start3A_40 = arith.constant 0 : i32
        %dma_start3A_41 = tpu.memref_slice %arg14[%add3A_36, %dma_start3A_40] : memref<10240x128xf32, #tpu.memory_space<vmem_shared>> -> memref<80x128xf32, #tpu.memory_space<vmem_shared>>
        tpu.enqueue_dma source(%arg13 : memref<80x128xf32, #tpu.memory_space<vmem>>) target(%dma_start3A_41 : memref<80x128xf32, #tpu.memory_space<vmem_shared>>) target_semaphore(%run_scoped3A : memref<!tpu.dma_semaphore, #tpu.memory_space<semaphore_mem>>)
        %dma_wait3A = arith.constant 0 : i32
        %dma_wait3A_42 = tpu.memref_slice %arg14[%add3A_36, %dma_wait3A] : memref<10240x128xf32, #tpu.memory_space<vmem_shared>> -> memref<80x128xf32, #tpu.memory_space<vmem_shared>>
        %dma_wait3A_43 = arith.constant 0 : i32
        %dma_wait3A_44 = tpu.memref_slice %arg14[%add3A_36, %dma_wait3A_43] : memref<10240x128xf32, #tpu.memory_space<vmem_shared>> -> memref<80x128xf32, #tpu.memory_space<vmem_shared>>
        tpu.wait_dma2 semaphore(%run_scoped3A : memref<!tpu.dma_semaphore, #tpu.memory_space<semaphore_mem>>) src(%arg13 : memref<80x128xf32, #tpu.memory_space<vmem>>) dst(%dma_wait3A_44 : memref<80x128xf32, #tpu.memory_space<vmem_shared>>)
        tpu.yield
      }) : () -> ()
      %scan3A_37 = arith.constant 0 : i32
      scf.yield %scan3A_37 : i32
    }
    %scan3A_8 = arith.constant 8 : i32
    %barrier3A = arith.constant 0 : index
    tpu.barrier barrier_id(%barrier3A)
    %mul3A_9 = arith.constant 80 : i32
    %mul3A_10 = arith.muli %add3A, %mul3A_9 : i32
    %add3A_11 = arith.constant 0 : i32
    %add3A_12 = arith.addi %mul3A_10, %add3A_11 : i32
    %mul3A_13 = arith.constant 128 : i32
    %mul3A_14 = arith.muli %add3A_12, %mul3A_13 : i32
    "tpu.region"() ({
      %run_scoped3A = tpu.sem_alloc : memref<!tpu.dma_semaphore, #tpu.memory_space<semaphore_mem>>
      %dma_start3A_32 = tpu.memref_slice %arg3[%mul3A_14] : memref<327680xi32, #tpu.memory_space<hbm>> -> memref<128xi32, #tpu.memory_space<hbm>>
      %dma_start3A_33 = tpu.memref_slice %arg3[%mul3A_14] : memref<327680xi32, #tpu.memory_space<hbm>> -> memref<128xi32, #tpu.memory_space<hbm>>
      tpu.enqueue_dma source(%dma_start3A_33 : memref<128xi32, #tpu.memory_space<hbm>>) target(%arg7 : memref<128xi32, #tpu.memory_space<vmem>>) target_semaphore(%run_scoped3A : memref<!tpu.dma_semaphore, #tpu.memory_space<semaphore_mem>>)
      %dma_wait3A = tpu.memref_slice %arg3[%mul3A_14] : memref<327680xi32, #tpu.memory_space<hbm>> -> memref<128xi32, #tpu.memory_space<hbm>>
      %dma_wait3A_34 = tpu.memref_slice %arg3[%mul3A_14] : memref<327680xi32, #tpu.memory_space<hbm>> -> memref<128xi32, #tpu.memory_space<hbm>>
      tpu.wait_dma2 semaphore(%run_scoped3A : memref<!tpu.dma_semaphore, #tpu.memory_space<semaphore_mem>>) src(%dma_wait3A_34 : memref<128xi32, #tpu.memory_space<hbm>>) dst(%arg7 : memref<128xi32, #tpu.memory_space<vmem>>)
      tpu.yield
    }) : () -> ()
    "tpu.region"() ({
      %run_scoped3A = tpu.sem_alloc : memref<!tpu.dma_semaphore, #tpu.memory_space<semaphore_mem>>
      %dma_start3A_32 = tpu.memref_slice %arg4[%mul3A_14] : memref<327680xi32, #tpu.memory_space<hbm>> -> memref<128xi32, #tpu.memory_space<hbm>>
      %dma_start3A_33 = tpu.memref_slice %arg4[%mul3A_14] : memref<327680xi32, #tpu.memory_space<hbm>> -> memref<128xi32, #tpu.memory_space<hbm>>
      tpu.enqueue_dma source(%dma_start3A_33 : memref<128xi32, #tpu.memory_space<hbm>>) target(%arg8 : memref<128xi32, #tpu.memory_space<vmem>>) target_semaphore(%run_scoped3A : memref<!tpu.dma_semaphore, #tpu.memory_space<semaphore_mem>>)
      %dma_wait3A = tpu.memref_slice %arg4[%mul3A_14] : memref<327680xi32, #tpu.memory_space<hbm>> -> memref<128xi32, #tpu.memory_space<hbm>>
      %dma_wait3A_34 = tpu.memref_slice %arg4[%mul3A_14] : memref<327680xi32, #tpu.memory_space<hbm>> -> memref<128xi32, #tpu.memory_space<hbm>>
      tpu.wait_dma2 semaphore(%run_scoped3A : memref<!tpu.dma_semaphore, #tpu.memory_space<semaphore_mem>>) src(%dma_wait3A_34 : memref<128xi32, #tpu.memory_space<hbm>>) dst(%arg8 : memref<128xi32, #tpu.memory_space<vmem>>)
      tpu.yield
    }) : () -> ()
    %dma_start3A = arith.constant 0 : i32
    %dma_start3A_15 = arith.constant 0 : i32
    %dma_start3A_16 = tpu.memref_slice %arg2[%dma_start3A, %dma_start3A_15] : memref<10240x128xf32, #tpu.memory_space<hbm>> -> memref<10240x128xf32, #tpu.memory_space<hbm>>
    tpu.enqueue_indirect_dma source(%dma_start3A_16 : memref<10240x128xf32, #tpu.memory_space<hbm>>) target(%arg11 : memref<128x128xf32, #tpu.memory_space<vmem>>) offsets(%arg7 : memref<128xi32, #tpu.memory_space<vmem>>) semaphore(%arg15 : memref<!tpu.dma_semaphore, #tpu.memory_space<semaphore_mem>>)
    %scan3A_17 = arith.constant 0 : i32
    %scan3A_18 = arith.constant 0 : i32
    %scan3A_19 = arith.constant 40 : i32
    %scan3A_20 = arith.addi %scan3A_18, %scan3A_19 : i32
    %scan3A_21 = arith.constant 1 : i32
    %scan3A_22 = scf.for %scan3A_32 = %scan3A_18 to %scan3A_20 step %scan3A_21 iter_args(%scan3A_33 = %scan3A_17) -> (i32)  : i32 {
      %mul3A_34 = arith.constant 2 : i32
      %mul3A_35 = arith.muli %mul3A_34, %scan3A_32 : i32
      %add3A_36 = arith.constant 1 : i32
      %add3A_37 = arith.addi %mul3A_35, %add3A_36 : i32
      %add3A_38 = arith.addi %mul3A_10, %add3A_37 : i32
      %mul3A_39 = arith.constant 128 : i32
      %mul3A_40 = arith.muli %add3A_38, %mul3A_39 : i32
      "tpu.region"() ({
        %run_scoped3A = tpu.sem_alloc : memref<!tpu.dma_semaphore, #tpu.memory_space<semaphore_mem>>
        %dma_start3A_52 = tpu.memref_slice %arg3[%mul3A_40] : memref<327680xi32, #tpu.memory_space<hbm>> -> memref<128xi32, #tpu.memory_space<hbm>>
        %dma_start3A_53 = tpu.memref_slice %arg3[%mul3A_40] : memref<327680xi32, #tpu.memory_space<hbm>> -> memref<128xi32, #tpu.memory_space<hbm>>
        tpu.enqueue_dma source(%dma_start3A_53 : memref<128xi32, #tpu.memory_space<hbm>>) target(%arg9 : memref<128xi32, #tpu.memory_space<vmem>>) target_semaphore(%run_scoped3A : memref<!tpu.dma_semaphore, #tpu.memory_space<semaphore_mem>>)
        %dma_wait3A_54 = tpu.memref_slice %arg3[%mul3A_40] : memref<327680xi32, #tpu.memory_space<hbm>> -> memref<128xi32, #tpu.memory_space<hbm>>
        %dma_wait3A_55 = tpu.memref_slice %arg3[%mul3A_40] : memref<327680xi32, #tpu.memory_space<hbm>> -> memref<128xi32, #tpu.memory_space<hbm>>
        tpu.wait_dma2 semaphore(%run_scoped3A : memref<!tpu.dma_semaphore, #tpu.memory_space<semaphore_mem>>) src(%dma_wait3A_55 : memref<128xi32, #tpu.memory_space<hbm>>) dst(%arg9 : memref<128xi32, #tpu.memory_space<vmem>>)
        tpu.yield
      }) : () -> ()
      "tpu.region"() ({
        %run_scoped3A = tpu.sem_alloc : memref<!tpu.dma_semaphore, #tpu.memory_space<semaphore_mem>>
        %dma_start3A_52 = tpu.memref_slice %arg4[%mul3A_40] : memref<327680xi32, #tpu.memory_space<hbm>> -> memref<128xi32, #tpu.memory_space<hbm>>
        %dma_start3A_53 = tpu.memref_slice %arg4[%mul3A_40] : memref<327680xi32, #tpu.memory_space<hbm>> -> memref<128xi32, #tpu.memory_space<hbm>>
        tpu.enqueue_dma source(%dma_start3A_53 : memref<128xi32, #tpu.memory_space<hbm>>) target(%arg10 : memref<128xi32, #tpu.memory_space<vmem>>) target_semaphore(%run_scoped3A : memref<!tpu.dma_semaphore, #tpu.memory_space<semaphore_mem>>)
        %dma_wait3A_54 = tpu.memref_slice %arg4[%mul3A_40] : memref<327680xi32, #tpu.memory_space<hbm>> -> memref<128xi32, #tpu.memory_space<hbm>>
        %dma_wait3A_55 = tpu.memref_slice %arg4[%mul3A_40] : memref<327680xi32, #tpu.memory_space<hbm>> -> memref<128xi32, #tpu.memory_space<hbm>>
        tpu.wait_dma2 semaphore(%run_scoped3A : memref<!tpu.dma_semaphore, #tpu.memory_space<semaphore_mem>>) src(%dma_wait3A_55 : memref<128xi32, #tpu.memory_space<hbm>>) dst(%arg10 : memref<128xi32, #tpu.memory_space<vmem>>)
        tpu.yield
      }) : () -> ()
      %dma_start3A_41 = arith.constant 0 : i32
      %dma_start3A_42 = arith.constant 0 : i32
      %dma_start3A_43 = tpu.memref_slice %arg2[%dma_start3A_41, %dma_start3A_42] : memref<10240x128xf32, #tpu.memory_space<hbm>> -> memref<10240x128xf32, #tpu.memory_space<hbm>>
      tpu.enqueue_indirect_dma source(%dma_start3A_43 : memref<10240x128xf32, #tpu.memory_space<hbm>>) target(%arg12 : memref<128x128xf32, #tpu.memory_space<vmem>>) offsets(%arg9 : memref<128xi32, #tpu.memory_space<vmem>>) semaphore(%arg16 : memref<!tpu.dma_semaphore, #tpu.memory_space<semaphore_mem>>)
      %dma_wait3A = arith.constant 0 : i32
      %dma_wait3A_44 = arith.constant 0 : i32
      %dma_wait3A_45 = tpu.memref_slice %arg2[%dma_wait3A, %dma_wait3A_44] : memref<10240x128xf32, #tpu.memory_space<hbm>> -> memref<10240x128xf32, #tpu.memory_space<hbm>>
      tpu.wait_indirect_dma semaphore(%arg15 : memref<!tpu.dma_semaphore, #tpu.memory_space<semaphore_mem>>) src(%dma_wait3A_45 : memref<10240x128xf32, #tpu.memory_space<hbm>>) dst(%arg11 : memref<128x128xf32, #tpu.memory_space<vmem>>)
      "tpu.region"() ({
        %run_scoped3A = tpu.sem_alloc : memref<!tpu.dma_semaphore, #tpu.memory_space<semaphore_mem>>
        %dma_start3A_52 = arith.constant 0 : i32
        %dma_start3A_53 = arith.constant 0 : i32
        %dma_start3A_54 = tpu.memref_slice %arg14[%dma_start3A_52, %dma_start3A_53] : memref<10240x128xf32, #tpu.memory_space<vmem_shared>> -> memref<10240x128xf32, #tpu.memory_space<vmem_shared>>
        tpu.enqueue_indirect_dma source(%arg11 : memref<128x128xf32, #tpu.memory_space<vmem>>) target(%dma_start3A_54 : memref<10240x128xf32, #tpu.memory_space<vmem_shared>>) offsets(%arg8 : memref<128xi32, #tpu.memory_space<vmem>>) semaphore(%run_scoped3A : memref<!tpu.dma_semaphore, #tpu.memory_space<semaphore_mem>>) {add = true}
        %dma_wait3A_55 = arith.constant 0 : i32
        %dma_wait3A_56 = arith.constant 0 : i32
        %dma_wait3A_57 = tpu.memref_slice %arg14[%dma_wait3A_55, %dma_wait3A_56] : memref<10240x128xf32, #tpu.memory_space<vmem_shared>> -> memref<10240x128xf32, #tpu.memory_space<vmem_shared>>
        tpu.wait_indirect_dma semaphore(%run_scoped3A : memref<!tpu.dma_semaphore, #tpu.memory_space<semaphore_mem>>) src(%arg11 : memref<128x128xf32, #tpu.memory_space<vmem>>) dst(%dma_wait3A_57 : memref<10240x128xf32, #tpu.memory_space<vmem_shared>>)
        tpu.yield
      }) : () -> ()
      %lt3A = arith.constant 39 : i32
      %lt3A_46 = arith.cmpi slt, %scan3A_32, %lt3A : i32
      %convert_element_type3A = arith.extui %lt3A_46 : i1 to i32
      %cond3A = arith.constant 0 : i32
      %cond3A_47 = arith.cmpi ne, %convert_element_type3A, %cond3A : i32
      scf.if %cond3A_47 {
        %add3A_52 = arith.constant 2 : i32
        %add3A_53 = arith.addi %mul3A_35, %add3A_52 : i32
        %add3A_54 = arith.addi %mul3A_10, %add3A_53 : i32
        %mul3A_55 = arith.constant 128 : i32
        %mul3A_56 = arith.muli %add3A_54, %mul3A_55 : i32
        "tpu.region"() ({
          %run_scoped3A = tpu.sem_alloc : memref<!tpu.dma_semaphore, #tpu.memory_space<semaphore_mem>>
          %dma_start3A_60 = tpu.memref_slice %arg3[%mul3A_56] : memref<327680xi32, #tpu.memory_space<hbm>> -> memref<128xi32, #tpu.memory_space<hbm>>
          %dma_start3A_61 = tpu.memref_slice %arg3[%mul3A_56] : memref<327680xi32, #tpu.memory_space<hbm>> -> memref<128xi32, #tpu.memory_space<hbm>>
          tpu.enqueue_dma source(%dma_start3A_61 : memref<128xi32, #tpu.memory_space<hbm>>) target(%arg7 : memref<128xi32, #tpu.memory_space<vmem>>) target_semaphore(%run_scoped3A : memref<!tpu.dma_semaphore, #tpu.memory_space<semaphore_mem>>)
          %dma_wait3A_62 = tpu.memref_slice %arg3[%mul3A_56] : memref<327680xi32, #tpu.memory_space<hbm>> -> memref<128xi32, #tpu.memory_space<hbm>>
          %dma_wait3A_63 = tpu.memref_slice %arg3[%mul3A_56] : memref<327680xi32, #tpu.memory_space<hbm>> -> memref<128xi32, #tpu.memory_space<hbm>>
          tpu.wait_dma2 semaphore(%run_scoped3A : memref<!tpu.dma_semaphore, #tpu.memory_space<semaphore_mem>>) src(%dma_wait3A_63 : memref<128xi32, #tpu.memory_space<hbm>>) dst(%arg7 : memref<128xi32, #tpu.memory_space<vmem>>)
          tpu.yield
        }) : () -> ()
        "tpu.region"() ({
          %run_scoped3A = tpu.sem_alloc : memref<!tpu.dma_semaphore, #tpu.memory_space<semaphore_mem>>
          %dma_start3A_60 = tpu.memref_slice %arg4[%mul3A_56] : memref<327680xi32, #tpu.memory_space<hbm>> -> memref<128xi32, #tpu.memory_space<hbm>>
          %dma_start3A_61 = tpu.memref_slice %arg4[%mul3A_56] : memref<327680xi32, #tpu.memory_space<hbm>> -> memref<128xi32, #tpu.memory_space<hbm>>
          tpu.enqueue_dma source(%dma_start3A_61 : memref<128xi32, #tpu.memory_space<hbm>>) target(%arg8 : memref<128xi32, #tpu.memory_space<vmem>>) target_semaphore(%run_scoped3A : memref<!tpu.dma_semaphore, #tpu.memory_space<semaphore_mem>>)
          %dma_wait3A_62 = tpu.memref_slice %arg4[%mul3A_56] : memref<327680xi32, #tpu.memory_space<hbm>> -> memref<128xi32, #tpu.memory_space<hbm>>
          %dma_wait3A_63 = tpu.memref_slice %arg4[%mul3A_56] : memref<327680xi32, #tpu.memory_space<hbm>> -> memref<128xi32, #tpu.memory_space<hbm>>
          tpu.wait_dma2 semaphore(%run_scoped3A : memref<!tpu.dma_semaphore, #tpu.memory_space<semaphore_mem>>) src(%dma_wait3A_63 : memref<128xi32, #tpu.memory_space<hbm>>) dst(%arg8 : memref<128xi32, #tpu.memory_space<vmem>>)
          tpu.yield
        }) : () -> ()
        %dma_start3A_57 = arith.constant 0 : i32
        %dma_start3A_58 = arith.constant 0 : i32
        %dma_start3A_59 = tpu.memref_slice %arg2[%dma_start3A_57, %dma_start3A_58] : memref<10240x128xf32, #tpu.memory_space<hbm>> -> memref<10240x128xf32, #tpu.memory_space<hbm>>
        tpu.enqueue_indirect_dma source(%dma_start3A_59 : memref<10240x128xf32, #tpu.memory_space<hbm>>) target(%arg11 : memref<128x128xf32, #tpu.memory_space<vmem>>) offsets(%arg7 : memref<128xi32, #tpu.memory_space<vmem>>) semaphore(%arg15 : memref<!tpu.dma_semaphore, #tpu.memory_space<semaphore_mem>>)
      } else {
      }
      %dma_wait3A_48 = arith.constant 0 : i32
      %dma_wait3A_49 = arith.constant 0 : i32
      %dma_wait3A_50 = tpu.memref_slice %arg2[%dma_wait3A_48, %dma_wait3A_49] : memref<10240x128xf32, #tpu.memory_space<hbm>> -> memref<10240x128xf32, #tpu.memory_space<hbm>>
      tpu.wait_indirect_dma semaphore(%arg16 : memref<!tpu.dma_semaphore, #tpu.memory_space<semaphore_mem>>) src(%dma_wait3A_50 : memref<10240x128xf32, #tpu.memory_space<hbm>>) dst(%arg12 : memref<128x128xf32, #tpu.memory_space<vmem>>)
      "tpu.region"() ({
        %run_scoped3A = tpu.sem_alloc : memref<!tpu.dma_semaphore, #tpu.memory_space<semaphore_mem>>
        %dma_start3A_52 = arith.constant 0 : i32
        %dma_start3A_53 = arith.constant 0 : i32
        %dma_start3A_54 = tpu.memref_slice %arg14[%dma_start3A_52, %dma_start3A_53] : memref<10240x128xf32, #tpu.memory_space<vmem_shared>> -> memref<10240x128xf32, #tpu.memory_space<vmem_shared>>
        tpu.enqueue_indirect_dma source(%arg12 : memref<128x128xf32, #tpu.memory_space<vmem>>) target(%dma_start3A_54 : memref<10240x128xf32, #tpu.memory_space<vmem_shared>>) offsets(%arg10 : memref<128xi32, #tpu.memory_space<vmem>>) semaphore(%run_scoped3A : memref<!tpu.dma_semaphore, #tpu.memory_space<semaphore_mem>>) {add = true}
        %dma_wait3A_55 = arith.constant 0 : i32
        %dma_wait3A_56 = arith.constant 0 : i32
        %dma_wait3A_57 = tpu.memref_slice %arg14[%dma_wait3A_55, %dma_wait3A_56] : memref<10240x128xf32, #tpu.memory_space<vmem_shared>> -> memref<10240x128xf32, #tpu.memory_space<vmem_shared>>
        tpu.wait_indirect_dma semaphore(%run_scoped3A : memref<!tpu.dma_semaphore, #tpu.memory_space<semaphore_mem>>) src(%arg12 : memref<128x128xf32, #tpu.memory_space<vmem>>) dst(%dma_wait3A_57 : memref<10240x128xf32, #tpu.memory_space<vmem_shared>>)
        tpu.yield
      }) : () -> ()
      %scan3A_51 = arith.constant 0 : i32
      scf.yield %scan3A_51 : i32
    }
    %scan3A_23 = arith.constant 40 : i32
    %barrier3A_24 = arith.constant 0 : index
    tpu.barrier barrier_id(%barrier3A_24)
    %scan3A_25 = arith.constant 0 : i32
    %scan3A_26 = arith.constant 0 : i32
    %scan3A_27 = arith.constant 8 : i32
    %scan3A_28 = arith.addi %scan3A_26, %scan3A_27 : i32
    %scan3A_29 = arith.constant 1 : i32
    %scan3A_30 = scf.for %scan3A_32 = %scan3A_26 to %scan3A_28 step %scan3A_29 iter_args(%scan3A_33 = %scan3A_25) -> (i32)  : i32 {
      %mul3A_34 = arith.constant 80 : i32
      %mul3A_35 = arith.muli %scan3A_32, %mul3A_34 : i32
      %add3A_36 = arith.addi %mul3A_2, %mul3A_35 : i32
      "tpu.region"() ({
        %run_scoped3A = tpu.sem_alloc : memref<!tpu.dma_semaphore, #tpu.memory_space<semaphore_mem>>
        %dma_start3A_44 = arith.constant 0 : i32
        %dma_start3A_45 = tpu.memref_slice %arg14[%add3A_36, %dma_start3A_44] : memref<10240x128xf32, #tpu.memory_space<vmem_shared>> -> memref<80x128xf32, #tpu.memory_space<vmem_shared>>
        %dma_start3A_46 = arith.constant 0 : i32
        %dma_start3A_47 = tpu.memref_slice %arg14[%add3A_36, %dma_start3A_46] : memref<10240x128xf32, #tpu.memory_space<vmem_shared>> -> memref<80x128xf32, #tpu.memory_space<vmem_shared>>
        tpu.enqueue_dma source(%dma_start3A_47 : memref<80x128xf32, #tpu.memory_space<vmem_shared>>) target(%arg13 : memref<80x128xf32, #tpu.memory_space<vmem>>) target_semaphore(%run_scoped3A : memref<!tpu.dma_semaphore, #tpu.memory_space<semaphore_mem>>)
        %dma_wait3A = arith.constant 0 : i32
        %dma_wait3A_48 = tpu.memref_slice %arg14[%add3A_36, %dma_wait3A] : memref<10240x128xf32, #tpu.memory_space<vmem_shared>> -> memref<80x128xf32, #tpu.memory_space<vmem_shared>>
        %dma_wait3A_49 = arith.constant 0 : i32
        %dma_wait3A_50 = tpu.memref_slice %arg14[%add3A_36, %dma_wait3A_49] : memref<10240x128xf32, #tpu.memory_space<vmem_shared>> -> memref<80x128xf32, #tpu.memory_space<vmem_shared>>
        tpu.wait_dma2 semaphore(%run_scoped3A : memref<!tpu.dma_semaphore, #tpu.memory_space<semaphore_mem>>) src(%dma_wait3A_50 : memref<80x128xf32, #tpu.memory_space<vmem_shared>>) dst(%arg13 : memref<80x128xf32, #tpu.memory_space<vmem>>)
        tpu.yield
      }) : () -> ()
      %mul3A_37 = arith.constant 10240 : i32
      %mul3A_38 = arith.muli %arg0, %mul3A_37 : i32
      %add3A_39 = arith.addi %mul3A_38, %mul3A_2 : i32
      %mul3A_40 = arith.constant 80 : i32
      %mul3A_41 = arith.muli %scan3A_32, %mul3A_40 : i32
      %add3A_42 = arith.addi %add3A_39, %mul3A_41 : i32
      "tpu.region"() ({
        %run_scoped3A = tpu.sem_alloc : memref<!tpu.dma_semaphore, #tpu.memory_space<semaphore_mem>>
        %dma_start3A_44 = arith.constant 0 : i32
        %dma_start3A_45 = tpu.memref_slice %arg6[%add3A_42, %dma_start3A_44] : memref<20480x128xf32, #tpu.memory_space<hbm>> -> memref<80x128xf32, #tpu.memory_space<hbm>>
        %dma_start3A_46 = arith.constant 0 : i32
        %dma_start3A_47 = tpu.memref_slice %arg6[%add3A_42, %dma_start3A_46] : memref<20480x128xf32, #tpu.memory_space<hbm>> -> memref<80x128xf32, #tpu.memory_space<hbm>>
        tpu.enqueue_dma source(%arg13 : memref<80x128xf32, #tpu.memory_space<vmem>>) target(%dma_start3A_47 : memref<80x128xf32, #tpu.memory_space<hbm>>) target_semaphore(%run_scoped3A : memref<!tpu.dma_semaphore, #tpu.memory_space<semaphore_mem>>)
        %dma_wait3A = arith.constant 0 : i32
        %dma_wait3A_48 = tpu.memref_slice %arg6[%add3A_42, %dma_wait3A] : memref<20480x128xf32, #tpu.memory_space<hbm>> -> memref<80x128xf32, #tpu.memory_space<hbm>>
        %dma_wait3A_49 = arith.constant 0 : i32
        %dma_wait3A_50 = tpu.memref_slice %arg6[%add3A_42, %dma_wait3A_49] : memref<20480x128xf32, #tpu.memory_space<hbm>> -> memref<80x128xf32, #tpu.memory_space<hbm>>
        tpu.wait_dma2 semaphore(%run_scoped3A : memref<!tpu.dma_semaphore, #tpu.memory_space<semaphore_mem>>) src(%arg13 : memref<80x128xf32, #tpu.memory_space<vmem>>) dst(%dma_wait3A_50 : memref<80x128xf32, #tpu.memory_space<hbm>>)
        tpu.yield
      }) : () -> ()
      %scan3A_43 = arith.constant 0 : i32
      scf.yield %scan3A_43 : i32
    }
    %scan3A_31 = arith.constant 8 : i32
    return
  }
}

#map = affine_map<(d0, d1) -> (0)>
#map1 = affine_map<(d0, d1) -> (0, 0)>
module attributes {stable_mosaic.version = 14 : i64} {
  func.func @_deg_body(%arg0: i32, %arg1: i32, %arg2: memref<327680xi32, #tpu.memory_space<hbm>>, %arg3: memref<128x128xf32, #tpu.memory_space<hbm>>, %arg4: memref<80x128xf32, #tpu.memory_space<hbm>>, %arg5: memref<20480x128xf32, #tpu.memory_space<hbm>>, %arg6: memref<128xi32, #tpu.memory_space<vmem>>, %arg7: memref<128xi32, #tpu.memory_space<vmem>>, %arg8: memref<128x128xf32, #tpu.memory_space<vmem>>, %arg9: memref<80x128xf32, #tpu.memory_space<vmem>>, %arg10: memref<10240x128xf32, #tpu.memory_space<vmem_shared>>, %arg11: memref<!tpu.dma_semaphore, #tpu.memory_space<semaphore_mem>>, %arg12: memref<!tpu.dma_semaphore, #tpu.memory_space<semaphore_mem>>) attributes {dimension_semantics = [#tpu.dimension_semantics<core_parallel>, #tpu.dimension_semantics<subcore_parallel>], iteration_bounds = array<i64: 2, 16>, scalar_prefetch = 0 : i64, scratch_operands = 7 : i64, tpu.core_type = #tpu.core_type<sc_vector_subcore>, window_params = [{transform_indices = #map}, {transform_indices = #map1}, {transform_indices = #map1}, {transform_indices = #map1}]} {
    %mul3A = arith.constant 2 : i32
    %mul3A_0 = arith.muli %arg1, %mul3A : i32
    %add3A = arith.addi %mul3A_0, %arg0 : i32
    %mul3A_1 = arith.constant 640 : i32
    %mul3A_2 = arith.muli %arg1, %mul3A_1 : i32
    "tpu.region"() ({
      %run_scoped3A = tpu.sem_alloc : memref<!tpu.dma_semaphore, #tpu.memory_space<semaphore_mem>>
      tpu.enqueue_dma source(%arg3 : memref<128x128xf32, #tpu.memory_space<hbm>>) target(%arg8 : memref<128x128xf32, #tpu.memory_space<vmem>>) target_semaphore(%run_scoped3A : memref<!tpu.dma_semaphore, #tpu.memory_space<semaphore_mem>>)
      tpu.wait_dma2 semaphore(%run_scoped3A : memref<!tpu.dma_semaphore, #tpu.memory_space<semaphore_mem>>) src(%arg3 : memref<128x128xf32, #tpu.memory_space<hbm>>) dst(%arg8 : memref<128x128xf32, #tpu.memory_space<vmem>>)
      tpu.yield
    }) : () -> ()
    "tpu.region"() ({
      %run_scoped3A = tpu.sem_alloc : memref<!tpu.dma_semaphore, #tpu.memory_space<semaphore_mem>>
      tpu.enqueue_dma source(%arg4 : memref<80x128xf32, #tpu.memory_space<hbm>>) target(%arg9 : memref<80x128xf32, #tpu.memory_space<vmem>>) target_semaphore(%run_scoped3A : memref<!tpu.dma_semaphore, #tpu.memory_space<semaphore_mem>>)
      tpu.wait_dma2 semaphore(%run_scoped3A : memref<!tpu.dma_semaphore, #tpu.memory_space<semaphore_mem>>) src(%arg4 : memref<80x128xf32, #tpu.memory_space<hbm>>) dst(%arg9 : memref<80x128xf32, #tpu.memory_space<vmem>>)
      tpu.yield
    }) : () -> ()
    %scan3A = arith.constant 0 : i32
    %scan3A_3 = arith.constant 0 : i32
    %scan3A_4 = arith.constant 8 : i32
    %scan3A_5 = arith.addi %scan3A_3, %scan3A_4 : i32
    %scan3A_6 = arith.constant 1 : i32
    %scan3A_7 = scf.for %scan3A_29 = %scan3A_3 to %scan3A_5 step %scan3A_6 iter_args(%scan3A_30 = %scan3A) -> (i32)  : i32 {
      %mul3A_31 = arith.constant 80 : i32
      %mul3A_32 = arith.muli %scan3A_29, %mul3A_31 : i32
      %add3A_33 = arith.addi %mul3A_2, %mul3A_32 : i32
      "tpu.region"() ({
        %run_scoped3A = tpu.sem_alloc : memref<!tpu.dma_semaphore, #tpu.memory_space<semaphore_mem>>
        %dma_start3A_35 = arith.constant 0 : i32
        %dma_start3A_36 = tpu.memref_slice %arg10[%add3A_33, %dma_start3A_35] : memref<10240x128xf32, #tpu.memory_space<vmem_shared>> -> memref<80x128xf32, #tpu.memory_space<vmem_shared>>
        %dma_start3A_37 = arith.constant 0 : i32
        %dma_start3A_38 = tpu.memref_slice %arg10[%add3A_33, %dma_start3A_37] : memref<10240x128xf32, #tpu.memory_space<vmem_shared>> -> memref<80x128xf32, #tpu.memory_space<vmem_shared>>
        tpu.enqueue_dma source(%arg9 : memref<80x128xf32, #tpu.memory_space<vmem>>) target(%dma_start3A_38 : memref<80x128xf32, #tpu.memory_space<vmem_shared>>) target_semaphore(%run_scoped3A : memref<!tpu.dma_semaphore, #tpu.memory_space<semaphore_mem>>)
        %dma_wait3A = arith.constant 0 : i32
        %dma_wait3A_39 = tpu.memref_slice %arg10[%add3A_33, %dma_wait3A] : memref<10240x128xf32, #tpu.memory_space<vmem_shared>> -> memref<80x128xf32, #tpu.memory_space<vmem_shared>>
        %dma_wait3A_40 = arith.constant 0 : i32
        %dma_wait3A_41 = tpu.memref_slice %arg10[%add3A_33, %dma_wait3A_40] : memref<10240x128xf32, #tpu.memory_space<vmem_shared>> -> memref<80x128xf32, #tpu.memory_space<vmem_shared>>
        tpu.wait_dma2 semaphore(%run_scoped3A : memref<!tpu.dma_semaphore, #tpu.memory_space<semaphore_mem>>) src(%arg9 : memref<80x128xf32, #tpu.memory_space<vmem>>) dst(%dma_wait3A_41 : memref<80x128xf32, #tpu.memory_space<vmem_shared>>)
        tpu.yield
      }) : () -> ()
      %scan3A_34 = arith.constant 0 : i32
      scf.yield %scan3A_34 : i32
    }
    %scan3A_8 = arith.constant 8 : i32
    %barrier3A = arith.constant 0 : index
    tpu.barrier barrier_id(%barrier3A)
    %mul3A_9 = arith.constant 80 : i32
    %mul3A_10 = arith.muli %add3A, %mul3A_9 : i32
    %mul3A_11 = arith.constant 128 : i32
    %mul3A_12 = arith.muli %mul3A_10, %mul3A_11 : i32
    %dma_start3A = tpu.memref_slice %arg2[%mul3A_12] : memref<327680xi32, #tpu.memory_space<hbm>> -> memref<128xi32, #tpu.memory_space<hbm>>
    %dma_start3A_13 = tpu.memref_slice %arg2[%mul3A_12] : memref<327680xi32, #tpu.memory_space<hbm>> -> memref<128xi32, #tpu.memory_space<hbm>>
    tpu.enqueue_dma source(%dma_start3A_13 : memref<128xi32, #tpu.memory_space<hbm>>) target(%arg6 : memref<128xi32, #tpu.memory_space<vmem>>) target_semaphore(%arg11 : memref<!tpu.dma_semaphore, #tpu.memory_space<semaphore_mem>>)
    %scan3A_14 = arith.constant 0 : i32
    %scan3A_15 = arith.constant 0 : i32
    %scan3A_16 = arith.constant 40 : i32
    %scan3A_17 = arith.addi %scan3A_15, %scan3A_16 : i32
    %scan3A_18 = arith.constant 1 : i32
    %scan3A_19 = scf.for %scan3A_29 = %scan3A_15 to %scan3A_17 step %scan3A_18 iter_args(%scan3A_30 = %scan3A_14) -> (i32)  : i32 {
      %mul3A_31 = arith.constant 2 : i32
      %mul3A_32 = arith.muli %mul3A_31, %scan3A_29 : i32
      %add3A_33 = arith.addi %mul3A_10, %mul3A_32 : i32
      %add3A_34 = arith.constant 1 : i32
      %add3A_35 = arith.addi %add3A_33, %add3A_34 : i32
      %mul3A_36 = arith.constant 128 : i32
      %mul3A_37 = arith.muli %add3A_35, %mul3A_36 : i32
      %dma_start3A_38 = tpu.memref_slice %arg2[%mul3A_37] : memref<327680xi32, #tpu.memory_space<hbm>> -> memref<128xi32, #tpu.memory_space<hbm>>
      %dma_start3A_39 = tpu.memref_slice %arg2[%mul3A_37] : memref<327680xi32, #tpu.memory_space<hbm>> -> memref<128xi32, #tpu.memory_space<hbm>>
      tpu.enqueue_dma source(%dma_start3A_39 : memref<128xi32, #tpu.memory_space<hbm>>) target(%arg7 : memref<128xi32, #tpu.memory_space<vmem>>) target_semaphore(%arg12 : memref<!tpu.dma_semaphore, #tpu.memory_space<semaphore_mem>>)
      %add3A_40 = arith.addi %mul3A_10, %mul3A_32 : i32
      %mul3A_41 = arith.constant 128 : i32
      %mul3A_42 = arith.muli %add3A_40, %mul3A_41 : i32
      %dma_wait3A = tpu.memref_slice %arg2[%mul3A_42] : memref<327680xi32, #tpu.memory_space<hbm>> -> memref<128xi32, #tpu.memory_space<hbm>>
      %dma_wait3A_43 = tpu.memref_slice %arg2[%mul3A_42] : memref<327680xi32, #tpu.memory_space<hbm>> -> memref<128xi32, #tpu.memory_space<hbm>>
      tpu.wait_dma2 semaphore(%arg11 : memref<!tpu.dma_semaphore, #tpu.memory_space<semaphore_mem>>) src(%dma_wait3A_43 : memref<128xi32, #tpu.memory_space<hbm>>) dst(%arg6 : memref<128xi32, #tpu.memory_space<vmem>>)
      "tpu.region"() ({
        %run_scoped3A = tpu.sem_alloc : memref<!tpu.dma_semaphore, #tpu.memory_space<semaphore_mem>>
        %dma_start3A_54 = arith.constant 0 : i32
        %dma_start3A_55 = arith.constant 0 : i32
        %dma_start3A_56 = tpu.memref_slice %arg10[%dma_start3A_54, %dma_start3A_55] : memref<10240x128xf32, #tpu.memory_space<vmem_shared>> -> memref<10240x128xf32, #tpu.memory_space<vmem_shared>>
        tpu.enqueue_indirect_dma source(%arg8 : memref<128x128xf32, #tpu.memory_space<vmem>>) target(%dma_start3A_56 : memref<10240x128xf32, #tpu.memory_space<vmem_shared>>) offsets(%arg6 : memref<128xi32, #tpu.memory_space<vmem>>) semaphore(%run_scoped3A : memref<!tpu.dma_semaphore, #tpu.memory_space<semaphore_mem>>) {add = true}
        %dma_wait3A_57 = arith.constant 0 : i32
        %dma_wait3A_58 = arith.constant 0 : i32
        %dma_wait3A_59 = tpu.memref_slice %arg10[%dma_wait3A_57, %dma_wait3A_58] : memref<10240x128xf32, #tpu.memory_space<vmem_shared>> -> memref<10240x128xf32, #tpu.memory_space<vmem_shared>>
        tpu.wait_indirect_dma semaphore(%run_scoped3A : memref<!tpu.dma_semaphore, #tpu.memory_space<semaphore_mem>>) src(%arg8 : memref<128x128xf32, #tpu.memory_space<vmem>>) dst(%dma_wait3A_59 : memref<10240x128xf32, #tpu.memory_space<vmem_shared>>)
        tpu.yield
      }) : () -> ()
      %lt3A = arith.constant 39 : i32
      %lt3A_44 = arith.cmpi slt, %scan3A_29, %lt3A : i32
      %convert_element_type3A = arith.extui %lt3A_44 : i1 to i32
      %cond3A = arith.constant 0 : i32
      %cond3A_45 = arith.cmpi ne, %convert_element_type3A, %cond3A : i32
      scf.if %cond3A_45 {
        %add3A_54 = arith.addi %mul3A_10, %mul3A_32 : i32
        %add3A_55 = arith.constant 2 : i32
        %add3A_56 = arith.addi %add3A_54, %add3A_55 : i32
        %mul3A_57 = arith.constant 128 : i32
        %mul3A_58 = arith.muli %add3A_56, %mul3A_57 : i32
        %dma_start3A_59 = tpu.memref_slice %arg2[%mul3A_58] : memref<327680xi32, #tpu.memory_space<hbm>> -> memref<128xi32, #tpu.memory_space<hbm>>
        %dma_start3A_60 = tpu.memref_slice %arg2[%mul3A_58] : memref<327680xi32, #tpu.memory_space<hbm>> -> memref<128xi32, #tpu.memory_space<hbm>>
        tpu.enqueue_dma source(%dma_start3A_60 : memref<128xi32, #tpu.memory_space<hbm>>) target(%arg6 : memref<128xi32, #tpu.memory_space<vmem>>) target_semaphore(%arg11 : memref<!tpu.dma_semaphore, #tpu.memory_space<semaphore_mem>>)
      } else {
      }
      %add3A_46 = arith.addi %mul3A_10, %mul3A_32 : i32
      %add3A_47 = arith.constant 1 : i32
      %add3A_48 = arith.addi %add3A_46, %add3A_47 : i32
      %mul3A_49 = arith.constant 128 : i32
      %mul3A_50 = arith.muli %add3A_48, %mul3A_49 : i32
      %dma_wait3A_51 = tpu.memref_slice %arg2[%mul3A_50] : memref<327680xi32, #tpu.memory_space<hbm>> -> memref<128xi32, #tpu.memory_space<hbm>>
      %dma_wait3A_52 = tpu.memref_slice %arg2[%mul3A_50] : memref<327680xi32, #tpu.memory_space<hbm>> -> memref<128xi32, #tpu.memory_space<hbm>>
      tpu.wait_dma2 semaphore(%arg12 : memref<!tpu.dma_semaphore, #tpu.memory_space<semaphore_mem>>) src(%dma_wait3A_52 : memref<128xi32, #tpu.memory_space<hbm>>) dst(%arg7 : memref<128xi32, #tpu.memory_space<vmem>>)
      "tpu.region"() ({
        %run_scoped3A = tpu.sem_alloc : memref<!tpu.dma_semaphore, #tpu.memory_space<semaphore_mem>>
        %dma_start3A_54 = arith.constant 0 : i32
        %dma_start3A_55 = arith.constant 0 : i32
        %dma_start3A_56 = tpu.memref_slice %arg10[%dma_start3A_54, %dma_start3A_55] : memref<10240x128xf32, #tpu.memory_space<vmem_shared>> -> memref<10240x128xf32, #tpu.memory_space<vmem_shared>>
        tpu.enqueue_indirect_dma source(%arg8 : memref<128x128xf32, #tpu.memory_space<vmem>>) target(%dma_start3A_56 : memref<10240x128xf32, #tpu.memory_space<vmem_shared>>) offsets(%arg7 : memref<128xi32, #tpu.memory_space<vmem>>) semaphore(%run_scoped3A : memref<!tpu.dma_semaphore, #tpu.memory_space<semaphore_mem>>) {add = true}
        %dma_wait3A_57 = arith.constant 0 : i32
        %dma_wait3A_58 = arith.constant 0 : i32
        %dma_wait3A_59 = tpu.memref_slice %arg10[%dma_wait3A_57, %dma_wait3A_58] : memref<10240x128xf32, #tpu.memory_space<vmem_shared>> -> memref<10240x128xf32, #tpu.memory_space<vmem_shared>>
        tpu.wait_indirect_dma semaphore(%run_scoped3A : memref<!tpu.dma_semaphore, #tpu.memory_space<semaphore_mem>>) src(%arg8 : memref<128x128xf32, #tpu.memory_space<vmem>>) dst(%dma_wait3A_59 : memref<10240x128xf32, #tpu.memory_space<vmem_shared>>)
        tpu.yield
      }) : () -> ()
      %scan3A_53 = arith.constant 0 : i32
      scf.yield %scan3A_53 : i32
    }
    %scan3A_20 = arith.constant 40 : i32
    %barrier3A_21 = arith.constant 0 : index
    tpu.barrier barrier_id(%barrier3A_21)
    %scan3A_22 = arith.constant 0 : i32
    %scan3A_23 = arith.constant 0 : i32
    %scan3A_24 = arith.constant 8 : i32
    %scan3A_25 = arith.addi %scan3A_23, %scan3A_24 : i32
    %scan3A_26 = arith.constant 1 : i32
    %scan3A_27 = scf.for %scan3A_29 = %scan3A_23 to %scan3A_25 step %scan3A_26 iter_args(%scan3A_30 = %scan3A_22) -> (i32)  : i32 {
      %mul3A_31 = arith.constant 80 : i32
      %mul3A_32 = arith.muli %scan3A_29, %mul3A_31 : i32
      %add3A_33 = arith.addi %mul3A_2, %mul3A_32 : i32
      "tpu.region"() ({
        %run_scoped3A = tpu.sem_alloc : memref<!tpu.dma_semaphore, #tpu.memory_space<semaphore_mem>>
        %dma_start3A_41 = arith.constant 0 : i32
        %dma_start3A_42 = tpu.memref_slice %arg10[%add3A_33, %dma_start3A_41] : memref<10240x128xf32, #tpu.memory_space<vmem_shared>> -> memref<80x128xf32, #tpu.memory_space<vmem_shared>>
        %dma_start3A_43 = arith.constant 0 : i32
        %dma_start3A_44 = tpu.memref_slice %arg10[%add3A_33, %dma_start3A_43] : memref<10240x128xf32, #tpu.memory_space<vmem_shared>> -> memref<80x128xf32, #tpu.memory_space<vmem_shared>>
        tpu.enqueue_dma source(%dma_start3A_44 : memref<80x128xf32, #tpu.memory_space<vmem_shared>>) target(%arg9 : memref<80x128xf32, #tpu.memory_space<vmem>>) target_semaphore(%run_scoped3A : memref<!tpu.dma_semaphore, #tpu.memory_space<semaphore_mem>>)
        %dma_wait3A = arith.constant 0 : i32
        %dma_wait3A_45 = tpu.memref_slice %arg10[%add3A_33, %dma_wait3A] : memref<10240x128xf32, #tpu.memory_space<vmem_shared>> -> memref<80x128xf32, #tpu.memory_space<vmem_shared>>
        %dma_wait3A_46 = arith.constant 0 : i32
        %dma_wait3A_47 = tpu.memref_slice %arg10[%add3A_33, %dma_wait3A_46] : memref<10240x128xf32, #tpu.memory_space<vmem_shared>> -> memref<80x128xf32, #tpu.memory_space<vmem_shared>>
        tpu.wait_dma2 semaphore(%run_scoped3A : memref<!tpu.dma_semaphore, #tpu.memory_space<semaphore_mem>>) src(%dma_wait3A_47 : memref<80x128xf32, #tpu.memory_space<vmem_shared>>) dst(%arg9 : memref<80x128xf32, #tpu.memory_space<vmem>>)
        tpu.yield
      }) : () -> ()
      %mul3A_34 = arith.constant 10240 : i32
      %mul3A_35 = arith.muli %arg0, %mul3A_34 : i32
      %add3A_36 = arith.addi %mul3A_35, %mul3A_2 : i32
      %mul3A_37 = arith.constant 80 : i32
      %mul3A_38 = arith.muli %scan3A_29, %mul3A_37 : i32
      %add3A_39 = arith.addi %add3A_36, %mul3A_38 : i32
      "tpu.region"() ({
        %run_scoped3A = tpu.sem_alloc : memref<!tpu.dma_semaphore, #tpu.memory_space<semaphore_mem>>
        %dma_start3A_41 = arith.constant 0 : i32
        %dma_start3A_42 = tpu.memref_slice %arg5[%add3A_39, %dma_start3A_41] : memref<20480x128xf32, #tpu.memory_space<hbm>> -> memref<80x128xf32, #tpu.memory_space<hbm>>
        %dma_start3A_43 = arith.constant 0 : i32
        %dma_start3A_44 = tpu.memref_slice %arg5[%add3A_39, %dma_start3A_43] : memref<20480x128xf32, #tpu.memory_space<hbm>> -> memref<80x128xf32, #tpu.memory_space<hbm>>
        tpu.enqueue_dma source(%arg9 : memref<80x128xf32, #tpu.memory_space<vmem>>) target(%dma_start3A_44 : memref<80x128xf32, #tpu.memory_space<hbm>>) target_semaphore(%run_scoped3A : memref<!tpu.dma_semaphore, #tpu.memory_space<semaphore_mem>>)
        %dma_wait3A = arith.constant 0 : i32
        %dma_wait3A_45 = tpu.memref_slice %arg5[%add3A_39, %dma_wait3A] : memref<20480x128xf32, #tpu.memory_space<hbm>> -> memref<80x128xf32, #tpu.memory_space<hbm>>
        %dma_wait3A_46 = arith.constant 0 : i32
        %dma_wait3A_47 = tpu.memref_slice %arg5[%add3A_39, %dma_wait3A_46] : memref<20480x128xf32, #tpu.memory_space<hbm>> -> memref<80x128xf32, #tpu.memory_space<hbm>>
        tpu.wait_dma2 semaphore(%run_scoped3A : memref<!tpu.dma_semaphore, #tpu.memory_space<semaphore_mem>>) src(%arg9 : memref<80x128xf32, #tpu.memory_space<vmem>>) dst(%dma_wait3A_47 : memref<80x128xf32, #tpu.memory_space<hbm>>)
        tpu.yield
      }) : () -> ()
      %scan3A_40 = arith.constant 0 : i32
      scf.yield %scan3A_40 : i32
    }
    %scan3A_28 = arith.constant 8 : i32
    return
  }
}

module attributes {stable_mosaic.version = 14 : i64} {
  func.func @_pre_body(%arg0: memref<20480x128xf32, #tpu.memory_space<vmem>>, %arg1: memref<10240x128xf32, #tpu.memory_space<vmem>>, %arg2: memref<10240x128xf32, #tpu.memory_space<vmem>>, %arg3: memref<10240x1xf32, #tpu.memory_space<vmem>>) attributes {dimension_semantics = [], scalar_prefetch = 0 : i64, scratch_operands = 0 : i64, tpu.core_type = #tpu.core_type<tc>} {
    %get3A = arith.constant 0 : index
    %get3A_0 = arith.constant 0 : index
    %get3A_1 = vector.load %arg0[%get3A, %get3A_0] : memref<20480x128xf32, #tpu.memory_space<vmem>>, vector<10240x1xf32>
    %get3A_2 = arith.constant 10240 : index
    %get3A_3 = arith.constant 0 : index
    %get3A_4 = vector.load %arg0[%get3A_2, %get3A_3] : memref<20480x128xf32, #tpu.memory_space<vmem>>, vector<10240x1xf32>
    %add3A = arith.addf %get3A_1, %get3A_4 : vector<10240x1xf32>
    %gt3A = arith.constant 0.000000e+00 : f32
    %gt3A_5 = vector.broadcast %gt3A : f32 to vector<10240x1xf32>
    %gt3A_6 = arith.cmpf ogt, %add3A, %gt3A_5 : vector<10240x1xf32>
    %jit3A = arith.constant 1.000000e+00 : f32
    %broadcast_in_dim3A = vector.broadcast %jit3A : f32 to vector<10240x1xf32>
    %select_n3A = arith.select %gt3A_6, %add3A, %broadcast_in_dim3A : vector<10240x1xi1>, vector<10240x1xf32>
    %rsqrt3A = math.rsqrt %select_n3A : vector<10240x1xf32>
    %jit3A_7 = arith.constant 0.000000e+00 : f32
    %broadcast_in_dim3A_8 = vector.broadcast %jit3A_7 : f32 to vector<10240x1xf32>
    %select_n3A_9 = arith.select %gt3A_6, %rsqrt3A, %broadcast_in_dim3A_8 : vector<10240x1xi1>, vector<10240x1xf32>
    %swap3A = arith.constant 0 : index
    %swap3A_10 = arith.constant 0 : index
    %swap3A_11 = vector.load %arg3[%swap3A, %swap3A_10] : memref<10240x1xf32, #tpu.memory_space<vmem>>, vector<10240x1xf32>
    tpu.vector_store %arg3[%swap3A, %swap3A_10], %select_n3A_9 {strides = array<i32>} : memref<10240x1xf32, #tpu.memory_space<vmem>>, vector<10240x1xf32>,
    %get3A_12 = arith.constant 0 : index
    %get3A_13 = arith.constant 0 : index
    %get3A_14 = vector.load %arg1[%get3A_12, %get3A_13] : memref<10240x128xf32, #tpu.memory_space<vmem>>, vector<10240x128xf32>
    %mul3A = vector.broadcast %select_n3A_9 : vector<10240x1xf32> to vector<10240x128xf32>
    %mul3A_15 = arith.mulf %get3A_14, %mul3A : vector<10240x128xf32>
    %swap3A_16 = arith.constant 0 : index
    %swap3A_17 = arith.constant 0 : index
    %swap3A_18 = vector.load %arg2[%swap3A_16, %swap3A_17] : memref<10240x128xf32, #tpu.memory_space<vmem>>, vector<10240x128xf32>
    tpu.vector_store %arg2[%swap3A_16, %swap3A_17], %mul3A_15 {strides = array<i32>} : memref<10240x128xf32, #tpu.memory_space<vmem>>, vector<10240x128xf32>,
    return
  }
}

module attributes {stable_mosaic.version = 14 : i64} {
  func.func @_post_body(%arg0: memref<20480x128xf32, #tpu.memory_space<vmem>>, %arg1: memref<10240x1xf32, #tpu.memory_space<vmem>>, %arg2: memref<10000x128xf32, #tpu.memory_space<vmem>>) attributes {dimension_semantics = [], scalar_prefetch = 0 : i64, scratch_operands = 0 : i64, tpu.core_type = #tpu.core_type<tc>} {
    %get3A = arith.constant 0 : index
    %get3A_0 = arith.constant 0 : index
    %get3A_1 = vector.load %arg0[%get3A, %get3A_0] : memref<20480x128xf32, #tpu.memory_space<vmem>>, vector<10000x128xf32>
    %get3A_2 = arith.constant 10240 : index
    %get3A_3 = arith.constant 0 : index
    %get3A_4 = vector.load %arg0[%get3A_2, %get3A_3] : memref<20480x128xf32, #tpu.memory_space<vmem>>, vector<10000x128xf32>
    %add3A = arith.addf %get3A_1, %get3A_4 : vector<10000x128xf32>
    %get3A_5 = arith.constant 0 : index
    %get3A_6 = arith.constant 0 : index
    %get3A_7 = vector.load %arg1[%get3A_5, %get3A_6] : memref<10240x1xf32, #tpu.memory_space<vmem>>, vector<10000x1xf32>
    %mul3A = vector.broadcast %get3A_7 : vector<10000x1xf32> to vector<10000x128xf32>
    %mul3A_8 = arith.mulf %add3A, %mul3A : vector<10000x128xf32>
    %swap3A = arith.constant 0 : index
    %swap3A_9 = arith.constant 0 : index
    %swap3A_10 = vector.load %arg2[%swap3A, %swap3A_9] : memref<10000x128xf32, #tpu.memory_space<vmem>>, vector<10000x128xf32>
    tpu.vector_store %arg2[%swap3A, %swap3A_9], %mul3A_8 {strides = array<i32>} : memref<10000x128xf32, #tpu.memory_space<vmem>>, vector<10000x128xf32>,
    return
  }
}

</mosaic_0001>

<sc_bundles>
// kernel: kernel.6.cloned.1.call-start
scs
__scs_entry_jumppad:
0x0: {  	(pc) =	sbr.rel $0x88, $3  }
0x1: {  	(tag) =	ssettag $0x0;
	lr =	simm.s32 $0x1  }
0x2: {  	[smem:$0x3F9F] =	sst lr;
	_ =	strace $0xD0000000  }
0x3: {  	_ = 	snop  }
0x4: {  	_ = 	snop  }
0x5: {  	_ = 	snop  }
0x6: {  	_ = 	snop  }
0x7: {  	_ = 	snop  }
__scs_overlays_trampoline_lowered:
0x8: {  	[smem:$0x3FAE] =	sst s0  }
0x9: {  	[smem:$0x3FAF] =	sst s1  }
0xa: {  	[smem:$0x3FB0] =	sst s2  }
0xb: {  	[smem:$0x3FB1] =	sst s3  }
0xc: {  	[smem:$0x3FB2] =	sst s4  }
0xd: {  	[smem:$0x3FB3] =	sst s5  }
0xe: {  	[smem:$0x3FB4] =	sst s6  }
0xf: {  	[smem:$0x3FB5] =	sst s7  }
0x10: {  	[smem:$0x3FB6] =	sst s8  }
0x11: {  	[smem:$0x3FB7] =	sst s9;
	s0 =	simm.s32 @!p0 $0x0  }
0x12: {  	s1 =	sld [smem:$0x3F9D];
	s0 =	simm.s32 @p0 $0x1  }
0x13: {  	[smem:$0x3FB8] =	sst s0;
	s0 =	simm.s32 @!p1 $0x0  }
0x14: {  	s2 =	sld [smem:$0x3F9C];
	s0 =	simm.s32 @p1 $0x1  }
0x15: {  	[smem:$0x3FB9] =	sst s0;
	s0 =	simm.s32 @!p2 $0x0  }
0x16: {  	s3 =	sld [smem:$0x3FDB];
	s0 =	simm.s32 @p2 $0x1  }
0x17: {  	s4 =	simm.s32 $0x1BF5;
	[smem:$0x3FBB] =	sst s0  }
0x18: {  	s0 =	sld [smem:$0x3F9E];
	_ =	swait.ge [sflag:s4], $0x0  }
0x19: {  	s7 =	sld [smem:$0x3F9F]  }
0x1a: {  	s8 =	sadd.s32 $0xFFFFE003, lr  }
0x1b: {  	s9 =	sadd.s32 $0xFFFFFEF7, lr;
	s5 =	simm.s32 $0xFFFFFFFF;
	p2 =	slt.u32 s8, $0xFFFFF086  }
0x1c: {  	p1 =	slt.u32 s9, $0xF7A;
	s5 =	simm.s32 @!p2 $0x0  }
0x1d: {  	s5 =	simm.s32 @p1 $0x1;
	p0 =	seq.s32 s7, s2  }
0x1e: {  	s7 =	smul.u32 @!p0 $0xF7A, s2;
	p2 =	seq.s32 @!p0 s5, $0x0  }
0x1f: {  	s9 =	smul.u32 $0xF7A, s1;
	s8 =	simm.s32 @!p0 $0x1BF5;
	p2 =	por !p2, p0  }
0x20: {  	[sflag:s8] =	ssyncset.s32 @!p0 $0xFFFFF086;
	s6 =	sadd.s32 @!p0 s3, s7;
	s7 =	simm.s32 @!p0 $0x108  }
0x21: {  	s3 =	sadd.s32 s3, s9;
	s6 =	sadd.s32 @!p0 $0x88, s6;
	s7 =	simm.s32 @p2 $0x1082  }
0x22: {  	[simem:s7], [sflag:s8] =	dma.local @!p0 [hbm:s6], $0xF7A  }
0x23: {  	s9 =	sor.u32 $0xD0000000, s2;
	s6 =	simm.s32 $0x108;
	_ =	swait.ge @!p0 [sflag:s8], $0x0  }
0x24: {  	s3 =	sadd.s32 $0x88, s3;
	s6 =	simm.s32 @!p1 $0x1082;
	[sflag:s4] =	ssyncset.s32 $0xFFFFF086  }
0x25: {  	[simem:s6], [sflag:s4] =	dma.local [hbm:s3], $0xF7A  }
0x26: {  	[smem:$0x3F9F] =	sst s1;
	(tag) =	ssettag s2;
	_ =	strace s9  }
0x27: {  	s1 =	sld [smem:$0x3FAF]  }
0x28: {  	s2 =	sld [smem:$0x3FB0]  }
0x29: {  	s4 =	sld [smem:$0x3FB2]  }
0x2a: {  	p0 =	seq.s32 s5, $0x0;
	s5 =	sld [smem:$0x3FB3]  }
0x2b: {  	s6 =	sld [smem:$0x3FB4]  }
0x2c: {  	s7 =	sld [smem:$0x3FB5]  }
0x2d: {  	s3 =	simm.s32 $0x108;
	s8 =	sld [smem:$0x3FB6]  }
0x2e: {  	s3 =	simm.s32 @!p0 $0x1082;
	s9 =	sld [smem:$0x3FB7]  }
0x2f: {  	lr =	sadd.s32 s0, s3;
	s0 =	sld [smem:$0x3FAE]  }
0x30: {  	s3 =	sld [smem:$0x3FB1]  }
0x31: {  	[smem:$0x3FBA] =	sst s10  }
0x32: {  	s10 =	sld [smem:$0x3FB8];
	_ =	sdelay $0x3  }
0x33: {  	p0 =	seq.s32 s10, $0x1;
	s10 =	sld [smem:$0x3FBA];
	_ =	sdelay $0x3  }
0x34: {  	[smem:$0x3FBA] =	sst s10  }
0x35: {  	s10 =	sld [smem:$0x3FB9];
	_ =	sdelay $0x3  }
0x36: {  	p1 =	seq.s32 s10, $0x1;
	s10 =	sld [smem:$0x3FBA];
	_ =	sdelay $0x3  }
0x37: {  	[smem:$0x3FBA] =	sst s10  }
0x38: {  	s10 =	sld [smem:$0x3FBB]  }
0x39: {  	_ = 	snop;
	(pc) =	sbr.ind lr, $3  }
0x3a: {  	_ = 	snop  }
0x3b: {  	_ = 	snop  }
0x3c: {  	p2 =	seq.s32 s10, $0x1;
	s10 =	sld [smem:$0x3FBA]  }
0x3d: {  	_ =	shalt  }
0x3e: {  	_ =	shalt  }
0x3f: {  	_ =	shalt  }
0x40: {  	_ =	shalt  }
0x41: {  	_ =	shalt  }
0x42: {  	_ =	shalt  }
0x43: {  	_ =	shalt  }
0x44: {  	_ =	shalt  }
0x45: {  	_ =	shalt  }
0x46: {  	_ =	shalt  }
0x47: {  	_ =	shalt  }
0x48: {  	_ =	shalt  }
0x49: {  	_ =	shalt  }
0x4a: {  	_ =	shalt  }
0x4b: {  	_ =	shalt  }
0x4c: {  	_ =	shalt  }
0x4d: {  	_ =	shalt  }
0x4e: {  	_ =	shalt  }
0x4f: {  	_ =	shalt  }
0x50: {  	_ =	shalt  }
0x51: {  	_ =	shalt  }
0x52: {  	_ =	shalt  }
0x53: {  	_ =	shalt  }
0x54: {  	_ =	shalt  }
0x55: {  	_ =	shalt  }
0x56: {  	_ =	shalt  }
0x57: {  	_ =	shalt  }
0x58: {  	_ =	shalt  }
0x59: {  	_ =	shalt  }
0x5a: {  	_ =	shalt  }
0x5b: {  	_ =	shalt  }
0x5c: {  	_ =	shalt  }
0x5d: {  	_ =	shalt  }
0x5e: {  	_ =	shalt  }
0x5f: {  	_ =	shalt  }
0x60: {  	_ =	shalt  }
0x61: {  	_ =	shalt  }
0x62: {  	_ =	shalt  }
0x63: {  	_ =	shalt  }
0x64: {  	_ =	shalt  }
0x65: {  	_ =	shalt  }
0x66: {  	_ =	shalt  }
0x67: {  	_ =	shalt  }
0x68: {  	_ =	shalt  }
0x69: {  	_ =	shalt  }
0x6a: {  	_ =	shalt  }
0x6b: {  	_ =	shalt  }
0x6c: {  	_ =	shalt  }
0x6d: {  	_ =	shalt  }
0x6e: {  	_ =	shalt  }
0x6f: {  	_ =	shalt  }
0x70: {  	_ =	shalt  }
0x71: {  	_ =	shalt  }
0x72: {  	_ =	shalt  }
0x73: {  	_ =	shalt  }
0x74: {  	_ =	shalt  }
0x75: {  	_ =	shalt  }
0x76: {  	_ =	shalt  }
0x77: {  	_ =	shalt  }
0x78: {  	_ =	shalt  }
0x79: {  	_ =	shalt  }
0x7a: {  	_ =	shalt  }
0x7b: {  	_ =	shalt  }
0x7c: {  	_ =	shalt  }
0x7d: {  	_ =	shalt  }
0x7e: {  	_ =	shalt  }
0x7f: {  	_ =	shalt  }
0x80: {  	_ =	shalt  }
0x81: {  	_ =	shalt  }
0x82: {  	_ =	shalt  }
0x83: {  	_ =	shalt  }
0x84: {  	_ =	shalt  }
0x85: {  	_ =	shalt  }
0x86: {  	_ =	shalt  }
0x87: {  	_ =	shalt  }
.Lfunc_end0:
.L_simem_size_0:
called_computation_lowered:
.L_overlay_start_0:
0x88: {  	s2 =	sld [smem:$0x3FD9]  }
0x89: {  	s3 =	sld [smem:$0x3FFE];
	_ =	sdelay $0x1  }
0x8a: {  	s1 =	srdreg.scid  }
0x8b: {  	s0 =	sand.u32 $0x1, s1  }
0x8c: {  	s17 =	sshll.u32 s0, $0xA;
	s2 =	sadd.s32 s3, s2  }
0x8d: {  	s2 =	sadd.s32 s2, s17  }
0x8e: {  	[smem:$0x3FC6] =	sst s2  }
0x8f: {  	_ = 	snop  }
0x90: {  	s2 =	sld [smem:$0x3FD0];
	(tm) =	ssettm $0x1  }
0x91: {  	s18 =	sld [smem:$0x3FFB];
	_ =	sdelay $0x3  }
0x92: {  	_ =	strace s18  }
0x93: {  	s3 =	sld [smem:$0x3FFC];
	_ =	sdelay $0x3  }
0x94: {  	_ =	strace s3  }
0x95: {  	s3 =	sld [smem:$0x3FFD];
	_ =	sdelay $0x3  }
0x96: {  	_ =	strace s3  }
0x97: {  	_ =	strace $0x8FFFFFFF  }
0x98: {  	s19 =	sld [smem:$0x3FDB];
	_ =	sdelay $0x1  }
0x99: {  	s4 =	simm.s32 $_scs_section_size  }
0x9a: {  	s5 =	simm.s32 $_size__tile_overlayer_lowered;
	s6 =	simm.s32 $_tile_overlayer_lowered  }
0x9b: {  	s22 =	simm.s32 $0x1BFF;
	s21 =	sshll.u32 s6, $0x1;
	s3 =	sadd.s32 s4, s19  }
0x9c: {  	s7 =	simm.s32 $0x0;
	s20 =	sshll.u32 s5, $0x1;
	s5 =	sadd.s32 s21, s3  }
0x9d: {  	[timem:s7], [sflag:s22] =	dma.local [hbm:s5], s20  }
0x9e: {  	_ =	swait.ge [sflag:s22], s20  }
0x9f: {  	s4 =	ssub.s32 $0x0, s20;
	[sflag:s22] =	ssyncset.done $0x0  }
0xa0: {  	[sflag:s22] =	ssyncadd.s32 s4;
	_ =	sdelay $0x1  }
0xa1: {  	s23 =	simm.s32 $0x1B8B  }
0xa2: {  	_ =	swait.ge [sflag:s23], $0x1  }
0xa3: {  	[sflag:s23] =	ssyncset.done $0x0  }
0xa4: {  	s25 =	simm.s32 $0x1B8E;
	s24 =	sld [smem:$0x3FFE];
	[sflag:s23] =	ssyncadd.s32 $0xFFFFFFFF  }
0xa5: {  	s26 =	simm.s32 $execute0_lowered;
	[smem:$0x3FD2] =	sst s25  }
0xa6: {  	s5 =	sshll.u32 s26, $0x1;
	_ =	strace $0x80000046;
	[dreg:$0x1] =	wrdreg $0xFFFFFFFF  }
0xa7: {  	s28 =	simm.s32 $_size_execute0_lowered;
	s3 =	sadd.s32 s3, s5;
	[dreg:$0x0] =	wrdreg $0x0  }
0xa8: {  	s5 =	sshll.u32 s28, $0x1;
	[dreg:$0x2] =	wrdreg s3  }
0xa9: {  	[dreg:$0x3] =	wrdreg s5  }
0xaa: {  	[dreg:$0x4] =	wrdreg $0xC0  }
0xab: {  	_ =	task [dreg:s7], $0x5FFFF  }
0xac: {  	[dreg:$0x1] =	wrdreg $0xFFFFFFFF  }
0xad: {  	[dreg:$0x0] =	wrdreg $0x60  }
0xae: {  	[dreg:$0x2] =	wrdreg s2  }
0xaf: {  	[dreg:$0x3] =	wrdreg s24  }
0xb0: {  	[dreg:$0x4] =	wrdreg $0x69000  }
0xb1: {  	[dreg:$0x5] =	wrdreg $0x9  }
0xb2: {  	_ =	task.clear_ibuf [dreg:s7], $0x6FFFF;
	_ =	strace $0x90000046  }
0xb3: {  	s29 =	simm.s32 $0x9;
	_ =	strace $0x80000048  }
0xb4: {  	_ =	swait.ge [sflag:s29], $0x1  }
0xb5: {  	[sflag:s29] =	ssyncadd.s32 $0xFFFFFFFF  }
0xb6: {  	_ =	strace $0x90000048  }
0xb7: {  	_ =	sfence  }
0xb8: {  	s30 =	sld [smem:$0x0];
	_ =	sdelay $0x2  }
0xb9: {  	s31 =	sshll.u32 s1, $0xD;
	s1 =	sshrl.u32 s1, $0x2  }
0xba: {  	s3 =	sand.u32 $0x4000, s31;
	s1 =	sadd.s32 s1, s30  }
0xbb: {  	s0 =	sor.u32 s3, s0;
	s1 =	sshll.u32 s1, $0x11  }
0xbc: {  	s0 =	sor.u32 s1, s0  }
0xbd: {  	s0 =	sadd.s32 $0x8F2B, s0  }
0xbe: {  	[sflag:s0] =	ssyncadd.remote.s32 $0x1  }
0xbf: {  	_ =	sfence.sel $0xFFFF  }
0xc0: {  	[dreg:$0x0] =	wrdreg $0xFFFFFFFF;
	(pc) =	sbr.abs _section_cstart, $3  }
0xc1: {  	[dreg:$0x1] =	wrdreg $0xFFFFFFFF  }
0xc2: {  	_ =	task.clear_ibuf [dreg:s7], $0x2FFFF;
	_ =	strace $0x9FFFFFFF  }
0xc3: {  	(tm) =	ssettm $0x7FFFFFFF  }
tec
execute0_lowered:
.L_overlay_start_1:
0x0: {  	(tag) =	ssettag $0x1  }
0x1: {  	s0 =	rddreg [dreg:$0x0]  }
0x2: {  	s1 =	rddreg [dreg:$0x1]  }
0x3: {  	s2 =	rddreg [dreg:$0x2]  }
0x4: {  	s4 =	srdreg.scid;
	s17 =	stileid.u32  }
0x5: {  	s3 =	simm.s32 $0x0;
	s28 =	simm.s32 $0x3;
	s29 =	simm.s32 $0x4100  }
0x6: {  	s30 =	simm.s32 $0x80;
	s31 =	simm.s32 $0x1;
	s4 =	sand.u32 $0x1, s4  }
0x7: {  	s5 =	smul.u32 $0x280, s17;
	[smem:$0x7FF] =	sst s3;
	s7 =	sadd.s32 $0x1400, s1  }
0x8: {  	s20 =	sadd.s32 $0xE00, s1;
	s21 =	sshll.u32 s17, $0x1;
	s8 =	smul.u32 $0x50000, s17  }
0x9: {  	s6 =	smul.u32 $0x2800, s4;
	_ =	strace $0x80000047;
	[dreg:$0x4] =	wrdreg s7  }
0xa: {  	s26 =	smul.u32 $0xA00, s17;
	[dreg:$0x5] =	wrdreg s20;
	s22 =	ssub.s32 $0x2, s4  }
0xb: {  	s9 =	sshrl.u32 s22, $0x1;
	s24 =	sshrl.u32 s8, $0x2;
	s5 =	sadd.s32 s6, s5  }
0xc: {  	s6 =	sor.u32 s4, s21;
	s23 =	ssub.s32 s22, s9;
	s4 =	smul.u32 $0x500, s4  }
0xd: {  	s7 =	sadd.s32 s24, s2;
	s5 =	sshll.u32 s5, $0x4;
	s6 =	smul.u32 $0x500, s6  }
0xe: {  	s10 =	sadd.s32 $0x2800, s7;
	s11 =	sadd.s32 $0x5000, s7;
	s12 =	sadd.s32 $0x7800, s7  }
0xf: {  	s13 =	sadd.s32 $0xA000, s7;
	s14 =	sadd.s32 $0xC800, s7;
	s15 =	sadd.s32 $0xF000, s7  }
0x10: {  	s16 =	sadd.s32 $0x11800, s7;
	s1 =	sadd.s32 s5, s1;
	s5 =	smax.u32 s23, $0x1  }
0x11: {  	s6 =	sadd.s32 s0, s6;
	[dreg:$0x7] =	wrdreg s5;
	s17 =	sadd.s32 $0x1C00, s1  }
0x12: {  	s18 =	sadd.s32 $0x2100, s1;
	s19 =	sadd.s32 $0x2600, s1;
	s20 =	sadd.s32 $0x2B00, s1  }
0x13: {  	s0 =	sadd.s32 s26, s0;
	s21 =	sadd.s32 $0x3000, s1;
	s22 =	sadd.s32 $0x3500, s1  }
0x14: {  	s24 =	sadd.s32 $0x3A00, s1;
	s26 =	simm.s32 $0x100;
	[dreg:$0x6] =	wrdreg s6  }
0x15: {  	s25 =	sadd.s32 $0x4F0, s6;
	s23 =	sadd.s32 s4, s0;
	s0 =	simm.s32 $0x2  }
0x16: {  	[dreg:$0x8] =	wrdreg s25;
	s25 =	sadd.s32 $0x3F00, s1;
	s1 =	simm.s32 $0x0  }
.LBB2_1:
0x17: {  	s4 =	rddreg [dreg:$0x4]  }
0x18: {  	[tilespmem:s26], [sflag:$0x3] =	stream.linear.gather [hbm4b:s4+s3], $0x4000, $0x38;
	[tilespmem:$0x1A900] =	vst v63  }
0x19: {  	_ =	swait.ge [sflag:s28], $0x4000  }
0x1a: {  	[sflag:s28] =	ssyncset.done $0x0  }
0x1b: {  	s6 =	rddreg [dreg:$0x5];
	[sflag:s28] =	ssyncadd.s32 $0xFFFFC000  }
0x1c: {  	[tilespmem:s29], [sflag:$0x3] =	stream.linear.gather [hbm4b:s6+s3], $0x2800, $0x38;
	[tilespmem:$0x1A900] =	vst v63  }
0x1d: {  	_ =	swait.ge [sflag:s28], $0x2800  }
0x1e: {  	[sflag:s28] =	ssyncset.done $0x0  }
0x1f: {  	[sflag:s28] =	ssyncadd.s32 $0xFFFFD800  }
0x20: {  	[spmem:s7] =	stream.linear.scatter [tilespmem:s29], [sflag:$0x3], $0x2800, $0x38;
	[tilespmem:$0x1A900] =	vst v63  }
0x21: {  	_ =	swait.ge [sflag:s28], $0x2800  }
0x22: {  	[sflag:s28] =	ssyncset.done $0x0  }
0x23: {  	[sflag:s28] =	ssyncadd.s32 $0xFFFFD800  }
0x24: {  	[spmem:s10] =	stream.linear.scatter [tilespmem:s29], [sflag:$0x3], $0x2800, $0x38;
	[tilespmem:$0x1A900] =	vst v63  }
0x25: {  	_ =	swait.ge [sflag:s28], $0x2800  }
0x26: {  	[sflag:s28] =	ssyncset.done $0x0  }
0x27: {  	[sflag:s28] =	ssyncadd.s32 $0xFFFFD800  }
0x28: {  	[spmem:s11] =	stream.linear.scatter [tilespmem:s29], [sflag:$0x3], $0x2800, $0x38;
	[tilespmem:$0x1A900] =	vst v63  }
0x29: {  	_ =	swait.ge [sflag:s28], $0x2800  }
0x2a: {  	[sflag:s28] =	ssyncset.done $0x0  }
0x2b: {  	[sflag:s28] =	ssyncadd.s32 $0xFFFFD800  }
0x2c: {  	[spmem:s12] =	stream.linear.scatter [tilespmem:s29], [sflag:$0x3], $0x2800, $0x38;
	[tilespmem:$0x1A900] =	vst v63  }
0x2d: {  	_ =	swait.ge [sflag:s28], $0x2800  }
0x2e: {  	[sflag:s28] =	ssyncset.done $0x0  }
0x2f: {  	[sflag:s28] =	ssyncadd.s32 $0xFFFFD800  }
0x30: {  	[spmem:s13] =	stream.linear.scatter [tilespmem:s29], [sflag:$0x3], $0x2800, $0x38;
	[tilespmem:$0x1A900] =	vst v63  }
0x31: {  	_ =	swait.ge [sflag:s28], $0x2800  }
0x32: {  	[sflag:s28] =	ssyncset.done $0x0  }
0x33: {  	[sflag:s28] =	ssyncadd.s32 $0xFFFFD800  }
0x34: {  	[spmem:s14] =	stream.linear.scatter [tilespmem:s29], [sflag:$0x3], $0x2800, $0x38;
	[tilespmem:$0x1A900] =	vst v63  }
0x35: {  	_ =	swait.ge [sflag:s28], $0x2800  }
0x36: {  	[sflag:s28] =	ssyncset.done $0x0  }
0x37: {  	[sflag:s28] =	ssyncadd.s32 $0xFFFFD800  }
0x38: {  	[spmem:s15] =	stream.linear.scatter [tilespmem:s29], [sflag:$0x3], $0x2800, $0x38;
	[tilespmem:$0x1A900] =	vst v63  }
0x39: {  	_ =	swait.ge [sflag:s28], $0x2800  }
0x3a: {  	[sflag:s28] =	ssyncset.done $0x0  }
0x3b: {  	[sflag:s28] =	ssyncadd.s32 $0xFFFFD800  }
0x3c: {  	[spmem:s16] =	stream.linear.scatter [tilespmem:s29], [sflag:$0x3], $0x2800, $0x38;
	[tilespmem:$0x1A900] =	vst v63  }
0x3d: {  	_ =	swait.ge [sflag:s28], $0x2800  }
0x3e: {  	[sflag:s28] =	ssyncset.done $0x0  }
0x3f: {  	[sflag:s28] =	ssyncadd.s32 $0xFFFFD800  }
0x40: {  	[bflag:$0x0] =	sbarrier.arrive $0xFFFF  }
0x41: {  	s9 =	sadd.s32 $0xFFFFFB20, s23;
	s8 =	rddreg [dreg:$0x6]  }
0x42: {  	[tilespmem:s3], [sflag:$0x1] =	stream.linear.gather [hbm4b:s8+s3], $0x80, $0x38;
	[tilespmem:$0x1A900] =	vst v63  }
0x43: {  	s5 =	sadd.s32 $0x4F0, s9  }
0x44: {  	[tilespmem:s30], [sflag:$0x2] =	stream.linear.gather [hbm4b:s5+s3], $0x80, $0x38;
	[tilespmem:$0x1A900] =	vst v63  }
0x45: {  	_ =	swait.ge [sflag:s31], $0x80  }
0x46: {  	[sflag:s31] =	ssyncset.done $0x0  }
0x47: {  	[sflag:s31] =	ssyncadd.s32 $0xFFFFFF80  }
0x48: {  	[spmem:s2] =	stream.indirect.scatter.add.f32 [tilespmem:s26], [sflag:$0x3], $0x80, s3, s30, $0xb8;
	[tilespmem:$0x1A900] =	vst v63  }
0x49: {  	_ =	swait.ge [sflag:s28], $0x4000  }
0x4a: {  	[sflag:s28] =	ssyncset.done $0x0  }
0x4b: {  	s4 =	sadd.s32 $0x500, s9;
	[sflag:s28] =	ssyncadd.s32 $0xFFFFC000  }
0x4c: {  	[tilespmem:s3], [sflag:$0x1] =	stream.linear.gather [hbm4b:s4+s3], $0x80, $0x38;
	[tilespmem:$0x1A900] =	vst v63  }
0x4d: {  	_ =	swait.ge [sflag:s0], $0x80  }
0x4e: {  	[sflag:s0] =	ssyncset.done $0x0  }
0x4f: {  	[sflag:s0] =	ssyncadd.s32 $0xFFFFFF80  }
0x50: {  	[spmem:s2] =	stream.indirect.scatter.add.f32 [tilespmem:s26], [sflag:$0x3], $0x80, s30, s30, $0xb8;
	[tilespmem:$0x1A900] =	vst v63  }
0x51: {  	_ =	swait.ge [sflag:s28], $0x4000  }
0x52: {  	s5 =	simm.s32 $0xFFFFFB60;
	s4 =	sadd.s32 $0xFFFFFB40, s23;
	[sflag:s28] =	ssyncset.done $0x0  }
.LBB2_2:
0x53: {  	s8 =	sadd.s32 $0x4F0, s4  }
0x54: {  	[sflag:s28] =	ssyncadd.s32 $0xFFFFC000;
	s9 =	smov.u32 s5;
	s6 =	sadd.s32 $0x20, s5  }
0x55: {  	[tilespmem:s30], [sflag:$0x2] =	stream.linear.gather [hbm4b:s8+s3], $0x80, $0x38;
	[tilespmem:$0x1A900] =	vst v63  }
0x56: {  	p0 =	sne.s32 s5, $0xFFFFFFE0;
	_ =	swait.ge [sflag:s31], $0x80  }
0x57: {  	[sflag:s31] =	ssyncset.done $0x0  }
0x58: {  	[sflag:s31] =	ssyncadd.s32 $0xFFFFFF80  }
0x59: {  	[spmem:s2] =	stream.indirect.scatter.add.f32 [tilespmem:s26], [sflag:$0x3], $0x80, s3, s30, $0xb8;
	[tilespmem:$0x1A900] =	vst v63  }
0x5a: {  	_ =	swait.ge [sflag:s28], $0x4000  }
0x5b: {  	[sflag:s28] =	ssyncset.done $0x0  }
0x5c: {  	s4 =	sadd.s32 $0x500, s4;
	[sflag:s28] =	ssyncadd.s32 $0xFFFFC000  }
0x5d: {  	[tilespmem:s3], [sflag:$0x1] =	stream.linear.gather [hbm4b:s4+s3], $0x80, $0x38;
	[tilespmem:$0x1A900] =	vst v63  }
0x5e: {  	_ =	swait.ge [sflag:s0], $0x80  }
.Ltmp0:
0x5f: {  	[sflag:s0] =	ssyncset.done $0x0;
	(pc) =	sbr.rel @p0 .LBB2_2-.Ltmp0, $4  }
0x60: {  	[sflag:s0] =	ssyncadd.s32 $0xFFFFFF80  }
0x61: {  	[spmem:s2] =	stream.indirect.scatter.add.f32 [tilespmem:s26], [sflag:$0x3], $0x80, s30, s30, $0xb8;
	[tilespmem:$0x1A900] =	vst v63  }
0x62: {  	_ =	swait.ge [sflag:s28], $0x4000  }
0x63: {  	s5 =	smov.u32 s6;
	s4 =	sadd.s32 s9, s23;
	[sflag:s28] =	ssyncset.done $0x0  }
0x64: {  	s5 =	sadd.s32 $0x4F0, s4;
	[sflag:s28] =	ssyncadd.s32 $0xFFFFC000  }
0x65: {  	[tilespmem:s30], [sflag:$0x2] =	stream.linear.gather [hbm4b:s5+s3], $0x80, $0x38;
	[tilespmem:$0x1A900] =	vst v63  }
0x66: {  	_ =	swait.ge [sflag:s31], $0x80  }
0x67: {  	[sflag:s31] =	ssyncset.done $0x0  }
0x68: {  	[sflag:s31] =	ssyncadd.s32 $0xFFFFFF80  }
0x69: {  	[spmem:s2] =	stream.indirect.scatter.add.f32 [tilespmem:s26], [sflag:$0x3], $0x80, s3, s30, $0xb8;
	[tilespmem:$0x1A900] =	vst v63  }
0x6a: {  	_ =	swait.ge [sflag:s28], $0x4000  }
0x6b: {  	[sflag:s28] =	ssyncset.done $0x0  }
0x6c: {  	s6 =	sadd.s32 $0x500, s4;
	[sflag:s28] =	ssyncadd.s32 $0xFFFFC000  }
0x6d: {  	[tilespmem:s3], [sflag:$0x1] =	stream.linear.gather [hbm4b:s6+s3], $0x80, $0x38;
	[tilespmem:$0x1A900] =	vst v63  }
0x6e: {  	_ =	swait.ge [sflag:s0], $0x80  }
0x6f: {  	[sflag:s0] =	ssyncset.done $0x0  }
0x70: {  	[sflag:s0] =	ssyncadd.s32 $0xFFFFFF80  }
0x71: {  	[spmem:s2] =	stream.indirect.scatter.add.f32 [tilespmem:s26], [sflag:$0x3], $0x80, s30, s30, $0xb8;
	[tilespmem:$0x1A900] =	vst v63  }
0x72: {  	_ =	swait.ge [sflag:s28], $0x4000  }
0x73: {  	[sflag:s28] =	ssyncset.done $0x0  }
0x74: {  	s8 =	rddreg [dreg:$0x8];
	[sflag:s28] =	ssyncadd.s32 $0xFFFFC000  }
0x75: {  	[tilespmem:s30], [sflag:$0x2] =	stream.linear.gather [hbm4b:s8+s3], $0x80, $0x38;
	[tilespmem:$0x1A900] =	vst v63  }
0x76: {  	_ =	swait.ge [sflag:s31], $0x80  }
0x77: {  	[sflag:s31] =	ssyncset.done $0x0  }
0x78: {  	[sflag:s31] =	ssyncadd.s32 $0xFFFFFF80  }
0x79: {  	[spmem:s2] =	stream.indirect.scatter.add.f32 [tilespmem:s26], [sflag:$0x3], $0x80, s3, s30, $0xb8;
	[tilespmem:$0x1A900] =	vst v63  }
0x7a: {  	_ =	swait.ge [sflag:s28], $0x4000  }
0x7b: {  	[sflag:s28] =	ssyncset.done $0x0  }
0x7c: {  	[sflag:s28] =	ssyncadd.s32 $0xFFFFC000  }
0x7d: {  	_ =	swait.ge [sflag:s0], $0x80  }
0x7e: {  	[sflag:s0] =	ssyncset.done $0x0  }
0x7f: {  	[sflag:s0] =	ssyncadd.s32 $0xFFFFFF80  }
0x80: {  	[spmem:s2] =	stream.indirect.scatter.add.f32 [tilespmem:s26], [sflag:$0x3], $0x80, s30, s30, $0xb8;
	[tilespmem:$0x1A900] =	vst v63  }
0x81: {  	_ =	swait.ge [sflag:s28], $0x4000  }
0x82: {  	[sflag:s28] =	ssyncset.done $0x0  }
0x83: {  	[sflag:s28] =	ssyncadd.s32 $0xFFFFC000  }
0x84: {  	[bflag:$0x0] =	sbarrier.arrive $0xFFFF  }
0x85: {  	[tilespmem:s29], [sflag:$0x3] =	stream.linear.gather [spmem:s7], $0x2800, $0x38;
	[tilespmem:$0x1A900] =	vst v63  }
0x86: {  	_ =	swait.ge [sflag:s28], $0x2800  }
0x87: {  	[sflag:s28] =	ssyncset.done $0x0  }
0x88: {  	[sflag:s28] =	ssyncadd.s32 $0xFFFFD800  }
0x89: {  	[hbm4b:s17+s3] =	stream.linear.scatter [tilespmem:s29], [sflag:$0x3], $0x2800, $0x38;
	[tilespmem:$0x1A900] =	vst v63  }
0x8a: {  	_ =	swait.ge [sflag:s28], $0x2800  }
0x8b: {  	[sflag:s28] =	ssyncset.done $0x0  }
0x8c: {  	[sflag:s28] =	ssyncadd.s32 $0xFFFFD800  }
0x8d: {  	[tilespmem:s29], [sflag:$0x3] =	stream.linear.gather [spmem:s10], $0x2800, $0x38;
	[tilespmem:$0x1A900] =	vst v63  }
0x8e: {  	_ =	swait.ge [sflag:s28], $0x2800  }
0x8f: {  	[sflag:s28] =	ssyncset.done $0x0  }
0x90: {  	[sflag:s28] =	ssyncadd.s32 $0xFFFFD800  }
0x91: {  	[hbm4b:s18+s3] =	stream.linear.scatter [tilespmem:s29], [sflag:$0x3], $0x2800, $0x38;
	[tilespmem:$0x1A900] =	vst v63  }
0x92: {  	_ =	swait.ge [sflag:s28], $0x2800  }
0x93: {  	[sflag:s28] =	ssyncset.done $0x0  }
0x94: {  	[sflag:s28] =	ssyncadd.s32 $0xFFFFD800  }
0x95: {  	[tilespmem:s29], [sflag:$0x3] =	stream.linear.gather [spmem:s11], $0x2800, $0x38;
	[tilespmem:$0x1A900] =	vst v63  }
0x96: {  	_ =	swait.ge [sflag:s28], $0x2800  }
0x97: {  	[sflag:s28] =	ssyncset.done $0x0  }
0x98: {  	[sflag:s28] =	ssyncadd.s32 $0xFFFFD800  }
0x99: {  	[hbm4b:s19+s3] =	stream.linear.scatter [tilespmem:s29], [sflag:$0x3], $0x2800, $0x38;
	[tilespmem:$0x1A900] =	vst v63  }
0x9a: {  	_ =	swait.ge [sflag:s28], $0x2800  }
0x9b: {  	[sflag:s28] =	ssyncset.done $0x0  }
0x9c: {  	[sflag:s28] =	ssyncadd.s32 $0xFFFFD800  }
0x9d: {  	[tilespmem:s29], [sflag:$0x3] =	stream.linear.gather [spmem:s12], $0x2800, $0x38;
	[tilespmem:$0x1A900] =	vst v63  }
0x9e: {  	_ =	swait.ge [sflag:s28], $0x2800  }
0x9f: {  	[sflag:s28] =	ssyncset.done $0x0  }
0xa0: {  	[sflag:s28] =	ssyncadd.s32 $0xFFFFD800  }
0xa1: {  	[hbm4b:s20+s3] =	stream.linear.scatter [tilespmem:s29], [sflag:$0x3], $0x2800, $0x38;
	[tilespmem:$0x1A900] =	vst v63  }
0xa2: {  	_ =	swait.ge [sflag:s28], $0x2800  }
0xa3: {  	[sflag:s28] =	ssyncset.done $0x0  }
0xa4: {  	[sflag:s28] =	ssyncadd.s32 $0xFFFFD800  }
0xa5: {  	[tilespmem:s29], [sflag:$0x3] =	stream.linear.gather [spmem:s13], $0x2800, $0x38;
	[tilespmem:$0x1A900] =	vst v63  }
0xa6: {  	_ =	swait.ge [sflag:s28], $0x2800  }
0xa7: {  	[sflag:s28] =	ssyncset.done $0x0  }
0xa8: {  	[sflag:s28] =	ssyncadd.s32 $0xFFFFD800  }
0xa9: {  	[hbm4b:s21+s3] =	stream.linear.scatter [tilespmem:s29], [sflag:$0x3], $0x2800, $0x38;
	[tilespmem:$0x1A900] =	vst v63  }
0xaa: {  	_ =	swait.ge [sflag:s28], $0x2800  }
0xab: {  	[sflag:s28] =	ssyncset.done $0x0  }
0xac: {  	[sflag:s28] =	ssyncadd.s32 $0xFFFFD800  }
0xad: {  	[tilespmem:s29], [sflag:$0x3] =	stream.linear.gather [spmem:s14], $0x2800, $0x38;
	[tilespmem:$0x1A900] =	vst v63  }
0xae: {  	_ =	swait.ge [sflag:s28], $0x2800  }
0xaf: {  	[sflag:s28] =	ssyncset.done $0x0  }
0xb0: {  	[sflag:s28] =	ssyncadd.s32 $0xFFFFD800  }
0xb1: {  	[hbm4b:s22+s3] =	stream.linear.scatter [tilespmem:s29], [sflag:$0x3], $0x2800, $0x38;
	[tilespmem:$0x1A900] =	vst v63  }
0xb2: {  	_ =	swait.ge [sflag:s28], $0x2800  }
0xb3: {  	[sflag:s28] =	ssyncset.done $0x0  }
0xb4: {  	[sflag:s28] =	ssyncadd.s32 $0xFFFFD800  }
0xb5: {  	[tilespmem:s29], [sflag:$0x3] =	stream.linear.gather [spmem:s15], $0x2800, $0x38;
	[tilespmem:$0x1A900] =	vst v63  }
0xb6: {  	_ =	swait.ge [sflag:s28], $0x2800  }
0xb7: {  	[sflag:s28] =	ssyncset.done $0x0  }
0xb8: {  	[sflag:s28] =	ssyncadd.s32 $0xFFFFD800  }
0xb9: {  	[hbm4b:s24+s3] =	stream.linear.scatter [tilespmem:s29], [sflag:$0x3], $0x2800, $0x38;
	[tilespmem:$0x1A900] =	vst v63  }
0xba: {  	_ =	swait.ge [sflag:s28], $0x2800  }
0xbb: {  	[sflag:s28] =	ssyncset.done $0x0  }
0xbc: {  	[sflag:s28] =	ssyncadd.s32 $0xFFFFD800  }
0xbd: {  	[tilespmem:s29], [sflag:$0x3] =	stream.linear.gather [spmem:s16], $0x2800, $0x38;
	[tilespmem:$0x1A900] =	vst v63  }
0xbe: {  	_ =	swait.ge [sflag:s28], $0x2800  }
0xbf: {  	[sflag:s28] =	ssyncset.done $0x0  }
0xc0: {  	[sflag:s28] =	ssyncadd.s32 $0xFFFFD800  }
0xc1: {  	[hbm4b:s25+s3] =	stream.linear.scatter [tilespmem:s29], [sflag:$0x3], $0x2800, $0x38;
	[tilespmem:$0x1A900] =	vst v63  }
0xc2: {  	_ =	swait.ge [sflag:s28], $0x2800  }
0xc3: {  	s1 =	sadd.s32 $0x1, s1;
	s9 =	rddreg [dreg:$0x7]  }
0xc4: {  	p0 =	sne.s32 s1, s9  }
.Ltmp1:
0xc5: {  	_ = 	snop;
	(pc) =	sbr.rel @p0 .LBB2_1-.Ltmp1, $3  }
0xc6: {  	_ =	sdelay $0x1  }
0xc7: {  	[sflag:s28] =	ssyncset.done $0x0  }
0xc8: {  	[sflag:s28] =	ssyncadd.s32 $0xFFFFD800  }
0xc9: {  	_ =	sfence.sel $0x180000  }
0xca: {  	[bflag:$0x0] =	sbarrier.arrive $0xFFFF  }
0xcb: {  	_ =	strace $0x90000047  }
0xcc: {  	s0 =	stileid.u32;
	[bflag:$0x2] =	sbarrier.arrive $0xFFFF  }
0xcd: {  	p0 =	sne.s32 s0, $0x0;
	s0 =	rddreg [dreg:$0x3]  }
0xce: {  	s0 =	sadd.s32 @!p0 $0x100000, s0  }
0xcf: {  	[sflag:s0] =	ssyncadd.tile.s32 @!p0 $0x1;
	_ =	shalt  }
.Lfunc_end2:
_tile_overlayer_lowered:
.L_overlay_start_2:
0xd0: {  	(tag) =	ssettag $0x2  }
0xd1: {  	s0 =	rddreg [dreg:$0x0];
	s2 =	stileid.u32  }
0xd2: {  	s1 =	rddreg [dreg:$0x1];
	p0 =	sne.s32 s2, $0x0  }
0xd3: {  	s3 =	rddreg [dreg:$0x2];
	[bflag:$0x3] =	sbarrier.arrive $0xFFFF;
	s2 =	simm.s32 @!p0 $0x1C03  }
0xd4: {  	[timem:s3], [sflag:s2] =	dma.local @!p0 [hbm:s0], s1  }
0xd5: {  	s0 =	simm.s32 @!p0 $0x3  }
0xd6: {  	_ =	swait.ge @!p0 [sflag:s0], s1  }
0xd7: {  	s1 =	ssub.s32 @!p0 $0x0, s1;
	[sflag:s0] =	ssyncset.done @!p0 $0x0  }
0xd8: {  	[sflag:s0] =	ssyncadd.s32 @!p0 s1  }
0xd9: {  	[bflag:$0x3] =	sbarrier.arrive $0xFFFF  }
0xda: {  	_ =	shalt  }

// kernel: kernel.9.cloned.1.call-start
scs
__scs_entry_jumppad:
0x0: {  	(pc) =	sbr.rel $0x88, $3  }
0x1: {  	(tag) =	ssettag $0x0;
	lr =	simm.s32 $0x1  }
0x2: {  	[smem:$0x3F9F] =	sst lr;
	_ =	strace $0xD0000000  }
0x3: {  	_ = 	snop  }
0x4: {  	_ = 	snop  }
0x5: {  	_ = 	snop  }
0x6: {  	_ = 	snop  }
0x7: {  	_ = 	snop  }
__scs_overlays_trampoline_lowered:
0x8: {  	[smem:$0x3FAE] =	sst s0  }
0x9: {  	[smem:$0x3FAF] =	sst s1  }
0xa: {  	[smem:$0x3FB0] =	sst s2  }
0xb: {  	[smem:$0x3FB1] =	sst s3  }
0xc: {  	[smem:$0x3FB2] =	sst s4  }
0xd: {  	[smem:$0x3FB3] =	sst s5  }
0xe: {  	[smem:$0x3FB4] =	sst s6  }
0xf: {  	[smem:$0x3FB5] =	sst s7  }
0x10: {  	[smem:$0x3FB6] =	sst s8  }
0x11: {  	[smem:$0x3FB7] =	sst s9;
	s0 =	simm.s32 @!p0 $0x0  }
0x12: {  	s1 =	sld [smem:$0x3F9D];
	s0 =	simm.s32 @p0 $0x1  }
0x13: {  	[smem:$0x3FB8] =	sst s0;
	s0 =	simm.s32 @!p1 $0x0  }
0x14: {  	s2 =	sld [smem:$0x3F9C];
	s0 =	simm.s32 @p1 $0x1  }
0x15: {  	[smem:$0x3FB9] =	sst s0;
	s0 =	simm.s32 @!p2 $0x0  }
0x16: {  	s3 =	sld [smem:$0x3FDB];
	s0 =	simm.s32 @p2 $0x1  }
0x17: {  	s4 =	simm.s32 $0x1BF5;
	[smem:$0x3FBB] =	sst s0  }
0x18: {  	s0 =	sld [smem:$0x3F9E];
	_ =	swait.ge [sflag:s4], $0x0  }
0x19: {  	s7 =	sld [smem:$0x3F9F]  }
0x1a: {  	s8 =	sadd.s32 $0xFFFFE003, lr  }
0x1b: {  	s9 =	sadd.s32 $0xFFFFFEF7, lr;
	s5 =	simm.s32 $0xFFFFFFFF;
	p2 =	slt.u32 s8, $0xFFFFF086  }
0x1c: {  	p1 =	slt.u32 s9, $0xF7A;
	s5 =	simm.s32 @!p2 $0x0  }
0x1d: {  	s5 =	simm.s32 @p1 $0x1;
	p0 =	seq.s32 s7, s2  }
0x1e: {  	s7 =	smul.u32 @!p0 $0xF7A, s2;
	p2 =	seq.s32 @!p0 s5, $0x0  }
0x1f: {  	s9 =	smul.u32 $0xF7A, s1;
	s8 =	simm.s32 @!p0 $0x1BF5;
	p2 =	por !p2, p0  }
0x20: {  	[sflag:s8] =	ssyncset.s32 @!p0 $0xFFFFF086;
	s6 =	sadd.s32 @!p0 s3, s7;
	s7 =	simm.s32 @!p0 $0x108  }
0x21: {  	s3 =	sadd.s32 s3, s9;
	s6 =	sadd.s32 @!p0 $0x88, s6;
	s7 =	simm.s32 @p2 $0x1082  }
0x22: {  	[simem:s7], [sflag:s8] =	dma.local @!p0 [hbm:s6], $0xF7A  }
0x23: {  	s9 =	sor.u32 $0xD0000000, s2;
	s6 =	simm.s32 $0x108;
	_ =	swait.ge @!p0 [sflag:s8], $0x0  }
0x24: {  	s3 =	sadd.s32 $0x88, s3;
	s6 =	simm.s32 @!p1 $0x1082;
	[sflag:s4] =	ssyncset.s32 $0xFFFFF086  }
0x25: {  	[simem:s6], [sflag:s4] =	dma.local [hbm:s3], $0xF7A  }
0x26: {  	[smem:$0x3F9F] =	sst s1;
	(tag) =	ssettag s2;
	_ =	strace s9  }
0x27: {  	s1 =	sld [smem:$0x3FAF]  }
0x28: {  	s2 =	sld [smem:$0x3FB0]  }
0x29: {  	s4 =	sld [smem:$0x3FB2]  }
0x2a: {  	p0 =	seq.s32 s5, $0x0;
	s5 =	sld [smem:$0x3FB3]  }
0x2b: {  	s6 =	sld [smem:$0x3FB4]  }
0x2c: {  	s7 =	sld [smem:$0x3FB5]  }
0x2d: {  	s3 =	simm.s32 $0x108;
	s8 =	sld [smem:$0x3FB6]  }
0x2e: {  	s3 =	simm.s32 @!p0 $0x1082;
	s9 =	sld [smem:$0x3FB7]  }
0x2f: {  	lr =	sadd.s32 s0, s3;
	s0 =	sld [smem:$0x3FAE]  }
0x30: {  	s3 =	sld [smem:$0x3FB1]  }
0x31: {  	[smem:$0x3FBA] =	sst s10  }
0x32: {  	s10 =	sld [smem:$0x3FB8];
	_ =	sdelay $0x3  }
0x33: {  	p0 =	seq.s32 s10, $0x1;
	s10 =	sld [smem:$0x3FBA];
	_ =	sdelay $0x3  }
0x34: {  	[smem:$0x3FBA] =	sst s10  }
0x35: {  	s10 =	sld [smem:$0x3FB9];
	_ =	sdelay $0x3  }
0x36: {  	p1 =	seq.s32 s10, $0x1;
	s10 =	sld [smem:$0x3FBA];
	_ =	sdelay $0x3  }
0x37: {  	[smem:$0x3FBA] =	sst s10  }
0x38: {  	s10 =	sld [smem:$0x3FBB]  }
0x39: {  	_ = 	snop;
	(pc) =	sbr.ind lr, $3  }
0x3a: {  	_ = 	snop  }
0x3b: {  	_ = 	snop  }
0x3c: {  	p2 =	seq.s32 s10, $0x1;
	s10 =	sld [smem:$0x3FBA]  }
0x3d: {  	_ =	shalt  }
0x3e: {  	_ =	shalt  }
0x3f: {  	_ =	shalt  }
0x40: {  	_ =	shalt  }
0x41: {  	_ =	shalt  }
0x42: {  	_ =	shalt  }
0x43: {  	_ =	shalt  }
0x44: {  	_ =	shalt  }
0x45: {  	_ =	shalt  }
0x46: {  	_ =	shalt  }
0x47: {  	_ =	shalt  }
0x48: {  	_ =	shalt  }
0x49: {  	_ =	shalt  }
0x4a: {  	_ =	shalt  }
0x4b: {  	_ =	shalt  }
0x4c: {  	_ =	shalt  }
0x4d: {  	_ =	shalt  }
0x4e: {  	_ =	shalt  }
0x4f: {  	_ =	shalt  }
0x50: {  	_ =	shalt  }
0x51: {  	_ =	shalt  }
0x52: {  	_ =	shalt  }
0x53: {  	_ =	shalt  }
0x54: {  	_ =	shalt  }
0x55: {  	_ =	shalt  }
0x56: {  	_ =	shalt  }
0x57: {  	_ =	shalt  }
0x58: {  	_ =	shalt  }
0x59: {  	_ =	shalt  }
0x5a: {  	_ =	shalt  }
0x5b: {  	_ =	shalt  }
0x5c: {  	_ =	shalt  }
0x5d: {  	_ =	shalt  }
0x5e: {  	_ =	shalt  }
0x5f: {  	_ =	shalt  }
0x60: {  	_ =	shalt  }
0x61: {  	_ =	shalt  }
0x62: {  	_ =	shalt  }
0x63: {  	_ =	shalt  }
0x64: {  	_ =	shalt  }
0x65: {  	_ =	shalt  }
0x66: {  	_ =	shalt  }
0x67: {  	_ =	shalt  }
0x68: {  	_ =	shalt  }
0x69: {  	_ =	shalt  }
0x6a: {  	_ =	shalt  }
0x6b: {  	_ =	shalt  }
0x6c: {  	_ =	shalt  }
0x6d: {  	_ =	shalt  }
0x6e: {  	_ =	shalt  }
0x6f: {  	_ =	shalt  }
0x70: {  	_ =	shalt  }
0x71: {  	_ =	shalt  }
0x72: {  	_ =	shalt  }
0x73: {  	_ =	shalt  }
0x74: {  	_ =	shalt  }
0x75: {  	_ =	shalt  }
0x76: {  	_ =	shalt  }
0x77: {  	_ =	shalt  }
0x78: {  	_ =	shalt  }
0x79: {  	_ =	shalt  }
0x7a: {  	_ =	shalt  }
0x7b: {  	_ =	shalt  }
0x7c: {  	_ =	shalt  }
0x7d: {  	_ =	shalt  }
0x7e: {  	_ =	shalt  }
0x7f: {  	_ =	shalt  }
0x80: {  	_ =	shalt  }
0x81: {  	_ =	shalt  }
0x82: {  	_ =	shalt  }
0x83: {  	_ =	shalt  }
0x84: {  	_ =	shalt  }
0x85: {  	_ =	shalt  }
0x86: {  	_ =	shalt  }
0x87: {  	_ =	shalt  }
.Lfunc_end0:
.L_simem_size_0:
called_computation.1_lowered:
.L_overlay_start_0:
0x88: {  	s2 =	sld [smem:$0x3FD9]  }
0x89: {  	s3 =	sld [smem:$0x3FFE];
	_ =	sdelay $0x1  }
0x8a: {  	s1 =	srdreg.scid  }
0x8b: {  	s0 =	sand.u32 $0x1, s1  }
0x8c: {  	s17 =	sshll.u32 s0, $0xA;
	s2 =	sadd.s32 s3, s2  }
0x8d: {  	s2 =	sadd.s32 s2, s17  }
0x8e: {  	[smem:$0x3FC6] =	sst s2  }
0x8f: {  	_ = 	snop  }
0x90: {  	s2 =	sld [smem:$0x3FD0];
	(tm) =	ssettm $0x1  }
0x91: {  	s18 =	sld [smem:$0x3FFB];
	_ =	sdelay $0x3  }
0x92: {  	_ =	strace s18  }
0x93: {  	s3 =	sld [smem:$0x3FFC];
	_ =	sdelay $0x3  }
0x94: {  	_ =	strace s3  }
0x95: {  	s3 =	sld [smem:$0x3FFD];
	_ =	sdelay $0x3  }
0x96: {  	_ =	strace s3  }
0x97: {  	_ =	strace $0x8FFFFFFF  }
0x98: {  	s19 =	sld [smem:$0x3FDB];
	_ =	sdelay $0x1  }
0x99: {  	s4 =	simm.s32 $_scs_section_size  }
0x9a: {  	s5 =	simm.s32 $_size__tile_overlayer_lowered;
	s6 =	simm.s32 $_tile_overlayer_lowered  }
0x9b: {  	s22 =	simm.s32 $0x1BFF;
	s21 =	sshll.u32 s6, $0x1;
	s3 =	sadd.s32 s4, s19  }
0x9c: {  	s7 =	simm.s32 $0x0;
	s20 =	sshll.u32 s5, $0x1;
	s5 =	sadd.s32 s21, s3  }
0x9d: {  	[timem:s7], [sflag:s22] =	dma.local [hbm:s5], s20  }
0x9e: {  	_ =	swait.ge [sflag:s22], s20  }
0x9f: {  	s4 =	ssub.s32 $0x0, s20;
	[sflag:s22] =	ssyncset.done $0x0  }
0xa0: {  	[sflag:s22] =	ssyncadd.s32 s4;
	_ =	sdelay $0x1  }
0xa1: {  	s23 =	simm.s32 $0x1B8B  }
0xa2: {  	_ =	swait.ge [sflag:s23], $0x1  }
0xa3: {  	[sflag:s23] =	ssyncset.done $0x0  }
0xa4: {  	s25 =	simm.s32 $0x1B8E;
	s24 =	sld [smem:$0x3FFE];
	[sflag:s23] =	ssyncadd.s32 $0xFFFFFFFF  }
0xa5: {  	s26 =	simm.s32 $execute0_lowered;
	[smem:$0x3FD2] =	sst s25  }
0xa6: {  	s5 =	sshll.u32 s26, $0x1;
	_ =	strace $0x80000049;
	[dreg:$0x1] =	wrdreg $0xFFFFFFFF  }
0xa7: {  	s28 =	simm.s32 $_size_execute0_lowered;
	s3 =	sadd.s32 s3, s5;
	[dreg:$0x0] =	wrdreg $0x0  }
0xa8: {  	s5 =	sshll.u32 s28, $0x1;
	[dreg:$0x2] =	wrdreg s3  }
0xa9: {  	[dreg:$0x3] =	wrdreg s5  }
0xaa: {  	[dreg:$0x4] =	wrdreg $0xC0  }
0xab: {  	_ =	task [dreg:s7], $0x5FFFF  }
0xac: {  	[dreg:$0x1] =	wrdreg $0xFFFFFFFF  }
0xad: {  	[dreg:$0x0] =	wrdreg $0x60  }
0xae: {  	[dreg:$0x2] =	wrdreg s24  }
0xaf: {  	[dreg:$0x3] =	wrdreg s2  }
0xb0: {  	[dreg:$0x4] =	wrdreg $0xAA000  }
0xb1: {  	[dreg:$0x5] =	wrdreg $0x9  }
0xb2: {  	_ =	task.clear_ibuf [dreg:s7], $0x6FFFF;
	_ =	strace $0x90000049  }
0xb3: {  	s29 =	simm.s32 $0x9;
	_ =	strace $0x8000004B  }
0xb4: {  	_ =	swait.ge [sflag:s29], $0x1  }
0xb5: {  	[sflag:s29] =	ssyncadd.s32 $0xFFFFFFFF  }
0xb6: {  	_ =	strace $0x9000004B  }
0xb7: {  	_ =	sfence  }
0xb8: {  	s30 =	sld [smem:$0x0];
	_ =	sdelay $0x2  }
0xb9: {  	s31 =	sshll.u32 s1, $0xD;
	s1 =	sshrl.u32 s1, $0x2  }
0xba: {  	s3 =	sand.u32 $0x4000, s31;
	s1 =	sadd.s32 s1, s30  }
0xbb: {  	s0 =	sor.u32 s3, s0;
	s1 =	sshll.u32 s1, $0x11  }
0xbc: {  	s0 =	sor.u32 s1, s0  }
0xbd: {  	s0 =	sadd.s32 $0x8F2B, s0  }
0xbe: {  	[sflag:s0] =	ssyncadd.remote.s32 $0x1  }
0xbf: {  	_ =	sfence.sel $0xFFFF  }
0xc0: {  	[dreg:$0x0] =	wrdreg $0xFFFFFFFF;
	(pc) =	sbr.abs _section_cstart, $3  }
0xc1: {  	[dreg:$0x1] =	wrdreg $0xFFFFFFFF  }
0xc2: {  	_ =	task.clear_ibuf [dreg:s7], $0x2FFFF;
	_ =	strace $0x9FFFFFFF  }
0xc3: {  	(tm) =	ssettm $0x7FFFFFFF  }
tec
execute0_lowered:
.L_overlay_start_1:
0x0: {  	(tag) =	ssettag $0x1  }
0x1: {  	s0 =	rddreg [dreg:$0x0]  }
0x2: {  	s1 =	rddreg [dreg:$0x1]  }
0x3: {  	s2 =	rddreg [dreg:$0x2]  }
0x4: {  	s4 =	srdreg.scid;
	s11 =	stileid.u32;
	s3 =	simm.s32 $0x0  }
0x5: {  	s5 =	sand.u32 $0x1, s4;
	s6 =	smul.u32 $0x280, s11;
	[smem:$0x7FF] =	sst s3  }
0x6: {  	s8 =	sshll.u32 s11, $0x1;
	s4 =	sadd.s32 $0x1400, s0;
	s10 =	smul.u32 $0x50000, s11  }
0x7: {  	s9 =	sadd.s32 $0x51C00, s0;
	s12 =	sadd.s32 $0xE00, s0;
	s16 =	smul.u32 $0xA0, s11  }
0x8: {  	s7 =	smul.u32 $0x2800, s5;
	_ =	strace $0x8000004A;
	s8 =	sor.u32 s5, s8  }
0x9: {  	s26 =	ssub.s32 $0x2, s5;
	[dreg:$0x4] =	wrdreg s12;
	s5 =	smul.u32 $0x50, s5  }
0xa: {  	s25 =	smul.u32 $0x500, s8;
	s12 =	sshrl.u32 s26, $0x1;
	s14 =	sshrl.u32 s10, $0x2  }
0xb: {  	s10 =	simm.s32 $0x4200;
	s6 =	sadd.s32 s7, s6;
	s8 =	sadd.s32 s14, s2  }
0xc: {  	s5 =	sadd.s32 s5, s16;
	s14 =	simm.s32 $0x2;
	s6 =	sshll.u32 s6, $0x4  }
0xd: {  	s13 =	sadd.s32 s9, s25;
	s15 =	sadd.s32 s1, s25;
	s17 =	sadd.s32 $0x4F0, s25  }
0xe: {  	s11 =	sadd.s32 $0x2800, s8;
	s5 =	sshll.u32 s5, $0x4;
	s28 =	sadd.s32 $0xA000, s8  }
0xf: {  	s29 =	sadd.s32 $0xC800, s8;
	s30 =	sadd.s32 $0xF000, s8;
	s31 =	sadd.s32 $0x11800, s8  }
0x10: {  	s0 =	sadd.s32 s6, s0;
	s6 =	ssub.s32 s26, s12;
	[dreg:$0x5] =	wrdreg s13  }
0x11: {  	[dreg:$0x6] =	wrdreg s15;
	s7 =	sadd.s32 s9, s17;
	s12 =	sadd.s32 $0x5000, s8  }
0x12: {  	s23 =	sor.u32 $0x20, s5;
	s6 =	smax.u32 s6, $0x1;
	[dreg:$0x8] =	wrdreg s7  }
0x13: {  	s25 =	sadd.s32 s5, s9;
	s18 =	sadd.s32 $0x5BC00, s0;
	[dreg:$0x7] =	wrdreg s6  }
0x14: {  	s13 =	simm.s32 $0x1;
	s19 =	sadd.s32 $0x5C100, s0;
	[dreg:$0xa] =	wrdreg s18  }
0x15: {  	s15 =	simm.s32 $0x0;
	s20 =	sadd.s32 $0x5C600, s0;
	[dreg:$0xb] =	wrdreg s19  }
0x16: {  	s21 =	sadd.s32 $0x5CB00, s0;
	s22 =	sadd.s32 $0x5D000, s0;
	[dreg:$0xc] =	wrdreg s20  }
0x17: {  	s24 =	sadd.s32 $0x5D500, s0;
	s26 =	sadd.s32 $0x5DA00, s0;
	[dreg:$0xd] =	wrdreg s21  }
0x18: {  	s7 =	simm.s32 $0x100;
	s6 =	sadd.s32 s1, s17;
	[dreg:$0xe] =	wrdreg s22  }
0x19: {  	[dreg:$0xf] =	wrdreg s24;
	s20 =	sadd.s32 s23, s9;
	s21 =	sadd.s32 s23, s1  }
0x1a: {  	s1 =	sadd.s32 s5, s1;
	[dreg:$0x10] =	wrdreg s26;
	s23 =	sadd.s32 $0x5DF00, s0  }
0x1b: {  	s24 =	sadd.s32 $0x10, s25;
	s26 =	sadd.s32 $0x7800, s8;
	s0 =	simm.s32 $0x8200  }
0x1c: {  	s5 =	simm.s32 $0x80;
	s9 =	simm.s32 $0x180;
	[dreg:$0x9] =	wrdreg s6  }
0x1d: {  	s25 =	sadd.s32 $0x10, s1;
	s1 =	simm.s32 $0x3;
	s6 =	simm.s32 $0x200  }
.LBB2_1:
0x1e: {  	s16 =	rddreg [dreg:$0x4]  }
0x1f: {  	[tilespmem:s0], [sflag:$0x3] =	stream.linear.gather [hbm4b:s16+s3], $0x2800, $0x38;
	[tilespmem:$0x1EA00] =	vst v63  }
0x20: {  	_ =	swait.ge [sflag:s1], $0x2800  }
0x21: {  	[sflag:s1] =	ssyncset.done $0x0  }
0x22: {  	[sflag:s1] =	ssyncadd.s32 $0xFFFFD800  }
0x23: {  	[spmem:s8] =	stream.linear.scatter [tilespmem:s0], [sflag:$0x3], $0x2800, $0x38;
	[tilespmem:$0x1EA00] =	vst v63  }
0x24: {  	_ =	swait.ge [sflag:s1], $0x2800  }
0x25: {  	[sflag:s1] =	ssyncset.done $0x0  }
0x26: {  	[sflag:s1] =	ssyncadd.s32 $0xFFFFD800  }
0x27: {  	[spmem:s11] =	stream.linear.scatter [tilespmem:s0], [sflag:$0x3], $0x2800, $0x38;
	[tilespmem:$0x1EA00] =	vst v63  }
0x28: {  	_ =	swait.ge [sflag:s1], $0x2800  }
0x29: {  	[sflag:s1] =	ssyncset.done $0x0  }
0x2a: {  	[sflag:s1] =	ssyncadd.s32 $0xFFFFD800  }
0x2b: {  	[spmem:s12] =	stream.linear.scatter [tilespmem:s0], [sflag:$0x3], $0x2800, $0x38;
	[tilespmem:$0x1EA00] =	vst v63  }
0x2c: {  	_ =	swait.ge [sflag:s1], $0x2800  }
0x2d: {  	[sflag:s1] =	ssyncset.done $0x0  }
0x2e: {  	[sflag:s1] =	ssyncadd.s32 $0xFFFFD800  }
0x2f: {  	[spmem:s26] =	stream.linear.scatter [tilespmem:s0], [sflag:$0x3], $0x2800, $0x38;
	[tilespmem:$0x1EA00] =	vst v63  }
0x30: {  	_ =	swait.ge [sflag:s1], $0x2800  }
0x31: {  	[sflag:s1] =	ssyncset.done $0x0  }
0x32: {  	[sflag:s1] =	ssyncadd.s32 $0xFFFFD800  }
0x33: {  	[spmem:s28] =	stream.linear.scatter [tilespmem:s0], [sflag:$0x3], $0x2800, $0x38;
	[tilespmem:$0x1EA00] =	vst v63  }
0x34: {  	_ =	swait.ge [sflag:s1], $0x2800  }
0x35: {  	[sflag:s1] =	ssyncset.done $0x0  }
0x36: {  	[sflag:s1] =	ssyncadd.s32 $0xFFFFD800  }
0x37: {  	[spmem:s29] =	stream.linear.scatter [tilespmem:s0], [sflag:$0x3], $0x2800, $0x38;
	[tilespmem:$0x1EA00] =	vst v63  }
0x38: {  	_ =	swait.ge [sflag:s1], $0x2800  }
0x39: {  	[sflag:s1] =	ssyncset.done $0x0  }
0x3a: {  	[sflag:s1] =	ssyncadd.s32 $0xFFFFD800  }
0x3b: {  	[spmem:s30] =	stream.linear.scatter [tilespmem:s0], [sflag:$0x3], $0x2800, $0x38;
	[tilespmem:$0x1EA00] =	vst v63  }
0x3c: {  	_ =	swait.ge [sflag:s1], $0x2800  }
0x3d: {  	[sflag:s1] =	ssyncset.done $0x0  }
0x3e: {  	[sflag:s1] =	ssyncadd.s32 $0xFFFFD800  }
0x3f: {  	[spmem:s31] =	stream.linear.scatter [tilespmem:s0], [sflag:$0x3], $0x2800, $0x38;
	[tilespmem:$0x1EA00] =	vst v63  }
0x40: {  	_ =	swait.ge [sflag:s1], $0x2800  }
0x41: {  	[sflag:s1] =	ssyncset.done $0x0  }
0x42: {  	[sflag:s1] =	ssyncadd.s32 $0xFFFFD800  }
0x43: {  	[bflag:$0x0] =	sbarrier.arrive $0xFFFF  }
0x44: {  	s19 =	rddreg [dreg:$0x5]  }
0x45: {  	[tilespmem:s3], [sflag:$0x3] =	stream.linear.gather [hbm4b:s19+s3], $0x80, $0x38;
	[tilespmem:$0x1EA00] =	vst v63  }
0x46: {  	_ =	swait.ge [sflag:s1], $0x80  }
0x47: {  	[sflag:s1] =	ssyncset.done $0x0  }
0x48: {  	s22 =	rddreg [dreg:$0x6];
	[sflag:s1] =	ssyncadd.s32 $0xFFFFFF80  }
0x49: {  	[tilespmem:s5], [sflag:$0x3] =	stream.linear.gather [hbm4b:s22+s3], $0x80, $0x38;
	[tilespmem:$0x1EA00] =	vst v63  }
0x4a: {  	_ =	swait.ge [sflag:s1], $0x80  }
0x4b: {  	[sflag:s1] =	ssyncset.done $0x0  }
0x4c: {  	[sflag:s1] =	ssyncadd.s32 $0xFFFFFF80  }
0x4d: {  	[tilespmem:s6], [sflag:$0x1] =	stream.indirect.gather [hbm4b:s4+s5], $0x80, s3, s5, $0xb8;
	[tilespmem:$0x1EA00] =	vst v63  }
0x4e: {  	s17 =	sadd.s32 $0x0, s24  }
0x4f: {  	[tilespmem:s7], [sflag:$0x3] =	stream.linear.gather [hbm4b:s17+s3], $0x80, $0x38;
	[tilespmem:$0x1EA00] =	vst v63  }
0x50: {  	_ =	swait.ge [sflag:s1], $0x80  }
0x51: {  	[sflag:s1] =	ssyncset.done $0x0  }
0x52: {  	s18 =	sadd.s32 $0x0, s25;
	[sflag:s1] =	ssyncadd.s32 $0xFFFFFF80  }
0x53: {  	[tilespmem:s9], [sflag:$0x3] =	stream.linear.gather [hbm4b:s18+s3], $0x80, $0x38;
	[tilespmem:$0x1EA00] =	vst v63  }
0x54: {  	_ =	swait.ge [sflag:s1], $0x80  }
0x55: {  	[sflag:s1] =	ssyncset.done $0x0  }
0x56: {  	[sflag:s1] =	ssyncadd.s32 $0xFFFFFF80  }
0x57: {  	[tilespmem:s10], [sflag:$0x2] =	stream.indirect.gather [hbm4b:s4+s5], $0x80, s7, s5, $0xb8;
	[tilespmem:$0x1EA00] =	vst v63  }
0x58: {  	_ =	swait.ge [sflag:s13], $0x4000  }
0x59: {  	[sflag:s13] =	ssyncset.done $0x0  }
0x5a: {  	[sflag:s13] =	ssyncadd.s32 $0xFFFFC000  }
0x5b: {  	[spmem:s2] =	stream.indirect.scatter.add.f32 [tilespmem:s6], [sflag:$0x3], $0x80, s5, s5, $0xb8;
	[tilespmem:$0x1EA00] =	vst v63  }
0x5c: {  	_ =	swait.ge [sflag:s1], $0x4000  }
0x5d: {  	[sflag:s1] =	ssyncset.done $0x0  }
0x5e: {  	s19 =	sadd.s32 $0x0, s20;
	[sflag:s1] =	ssyncadd.s32 $0xFFFFC000  }
0x5f: {  	[tilespmem:s3], [sflag:$0x3] =	stream.linear.gather [hbm4b:s19+s3], $0x80, $0x38;
	[tilespmem:$0x1EA00] =	vst v63  }
0x60: {  	_ =	swait.ge [sflag:s1], $0x80  }
0x61: {  	[sflag:s1] =	ssyncset.done $0x0  }
0x62: {  	s22 =	sadd.s32 $0x0, s21;
	[sflag:s1] =	ssyncadd.s32 $0xFFFFFF80  }
0x63: {  	[tilespmem:s5], [sflag:$0x3] =	stream.linear.gather [hbm4b:s22+s3], $0x80, $0x38;
	[tilespmem:$0x1EA00] =	vst v63  }
0x64: {  	_ =	swait.ge [sflag:s1], $0x80  }
0x65: {  	[sflag:s1] =	ssyncset.done $0x0  }
0x66: {  	[sflag:s1] =	ssyncadd.s32 $0xFFFFFF80  }
0x67: {  	[tilespmem:s6], [sflag:$0x1] =	stream.indirect.gather [hbm4b:s4+s5], $0x80, s3, s5, $0xb8;
	[tilespmem:$0x1EA00] =	vst v63  }
0x68: {  	_ =	swait.ge [sflag:s14], $0x4000  }
0x69: {  	[sflag:s14] =	ssyncset.done $0x0  }
0x6a: {  	[sflag:s14] =	ssyncadd.s32 $0xFFFFC000  }
0x6b: {  	[spmem:s2] =	stream.indirect.scatter.add.f32 [tilespmem:s10], [sflag:$0x3], $0x80, s9, s5, $0xb8;
	[tilespmem:$0x1EA00] =	vst v63  }
0x6c: {  	_ =	swait.ge [sflag:s1], $0x4000  }
0x6d: {  	s16 =	simm.s32 $0x20;
	s17 =	simm.s32 $0x40;
	[sflag:s1] =	ssyncset.done $0x0  }
.LBB2_2:
0x6e: {  	s19 =	sadd.s32 s16, s24  }
0x6f: {  	[sflag:s1] =	ssyncadd.s32 $0xFFFFC000;
	s22 =	smov.u32 s17;
	s18 =	sadd.s32 $0x20, s17  }
0x70: {  	[tilespmem:s7], [sflag:$0x3] =	stream.linear.gather [hbm4b:s19+s3], $0x80, $0x38;
	[tilespmem:$0x1EA00] =	vst v63  }
0x71: {  	p0 =	sne.s32 s17, $0x4C0;
	_ =	swait.ge [sflag:s1], $0x80  }
0x72: {  	[sflag:s1] =	ssyncset.done $0x0  }
0x73: {  	s17 =	sadd.s32 s16, s25;
	[sflag:s1] =	ssyncadd.s32 $0xFFFFFF80  }
0x74: {  	[tilespmem:s9], [sflag:$0x3] =	stream.linear.gather [hbm4b:s17+s3], $0x80, $0x38;
	[tilespmem:$0x1EA00] =	vst v63  }
0x75: {  	_ =	swait.ge [sflag:s1], $0x80  }
0x76: {  	[sflag:s1] =	ssyncset.done $0x0  }
0x77: {  	[sflag:s1] =	ssyncadd.s32 $0xFFFFFF80  }
0x78: {  	[tilespmem:s10], [sflag:$0x2] =	stream.indirect.gather [hbm4b:s4+s5], $0x80, s7, s5, $0xb8;
	[tilespmem:$0x1EA00] =	vst v63  }
0x79: {  	_ =	swait.ge [sflag:s13], $0x4000  }
0x7a: {  	[sflag:s13] =	ssyncset.done $0x0  }
0x7b: {  	[sflag:s13] =	ssyncadd.s32 $0xFFFFC000  }
0x7c: {  	[spmem:s2] =	stream.indirect.scatter.add.f32 [tilespmem:s6], [sflag:$0x3], $0x80, s5, s5, $0xb8;
	[tilespmem:$0x1EA00] =	vst v63  }
0x7d: {  	_ =	swait.ge [sflag:s1], $0x4000  }
0x7e: {  	[sflag:s1] =	ssyncset.done $0x0  }
0x7f: {  	s17 =	sadd.s32 s16, s20;
	[sflag:s1] =	ssyncadd.s32 $0xFFFFC000  }
0x80: {  	[tilespmem:s3], [sflag:$0x3] =	stream.linear.gather [hbm4b:s17+s3], $0x80, $0x38;
	[tilespmem:$0x1EA00] =	vst v63  }
0x81: {  	_ =	swait.ge [sflag:s1], $0x80  }
0x82: {  	[sflag:s1] =	ssyncset.done $0x0  }
0x83: {  	s17 =	sadd.s32 s16, s21;
	s16 =	smov.u32 s22;
	[sflag:s1] =	ssyncadd.s32 $0xFFFFFF80  }
0x84: {  	[tilespmem:s5], [sflag:$0x3] =	stream.linear.gather [hbm4b:s17+s3], $0x80, $0x38;
	[tilespmem:$0x1EA00] =	vst v63  }
0x85: {  	_ =	swait.ge [sflag:s1], $0x80  }
0x86: {  	[sflag:s1] =	ssyncset.done $0x0  }
0x87: {  	[sflag:s1] =	ssyncadd.s32 $0xFFFFFF80  }
0x88: {  	[tilespmem:s6], [sflag:$0x1] =	stream.indirect.gather [hbm4b:s4+s5], $0x80, s3, s5, $0xb8;
	[tilespmem:$0x1EA00] =	vst v63  }
0x89: {  	_ =	swait.ge [sflag:s14], $0x4000  }
.Ltmp0:
0x8a: {  	[sflag:s14] =	ssyncset.done $0x0;
	(pc) =	sbr.rel @p0 .LBB2_2-.Ltmp0, $4  }
0x8b: {  	[sflag:s14] =	ssyncadd.s32 $0xFFFFC000  }
0x8c: {  	[spmem:s2] =	stream.indirect.scatter.add.f32 [tilespmem:s10], [sflag:$0x3], $0x80, s9, s5, $0xb8;
	[tilespmem:$0x1EA00] =	vst v63  }
0x8d: {  	_ =	swait.ge [sflag:s1], $0x4000  }
0x8e: {  	s17 =	smov.u32 s18;
	[sflag:s1] =	ssyncset.done $0x0  }
0x8f: {  	s17 =	sadd.s32 s16, s24;
	[sflag:s1] =	ssyncadd.s32 $0xFFFFC000  }
0x90: {  	[tilespmem:s7], [sflag:$0x3] =	stream.linear.gather [hbm4b:s17+s3], $0x80, $0x38;
	[tilespmem:$0x1EA00] =	vst v63  }
0x91: {  	_ =	swait.ge [sflag:s1], $0x80  }
0x92: {  	[sflag:s1] =	ssyncset.done $0x0  }
0x93: {  	s19 =	sadd.s32 s16, s25;
	[sflag:s1] =	ssyncadd.s32 $0xFFFFFF80  }
0x94: {  	[tilespmem:s9], [sflag:$0x3] =	stream.linear.gather [hbm4b:s19+s3], $0x80, $0x38;
	[tilespmem:$0x1EA00] =	vst v63  }
0x95: {  	_ =	swait.ge [sflag:s1], $0x80  }
0x96: {  	[sflag:s1] =	ssyncset.done $0x0  }
0x97: {  	[sflag:s1] =	ssyncadd.s32 $0xFFFFFF80  }
0x98: {  	[tilespmem:s10], [sflag:$0x2] =	stream.indirect.gather [hbm4b:s4+s5], $0x80, s7, s5, $0xb8;
	[tilespmem:$0x1EA00] =	vst v63  }
0x99: {  	_ =	swait.ge [sflag:s13], $0x4000  }
0x9a: {  	[sflag:s13] =	ssyncset.done $0x0  }
0x9b: {  	[sflag:s13] =	ssyncadd.s32 $0xFFFFC000  }
0x9c: {  	[spmem:s2] =	stream.indirect.scatter.add.f32 [tilespmem:s6], [sflag:$0x3], $0x80, s5, s5, $0xb8;
	[tilespmem:$0x1EA00] =	vst v63  }
0x9d: {  	_ =	swait.ge [sflag:s1], $0x4000  }
0x9e: {  	[sflag:s1] =	ssyncset.done $0x0  }
0x9f: {  	s22 =	sadd.s32 s16, s20;
	[sflag:s1] =	ssyncadd.s32 $0xFFFFC000  }
0xa0: {  	[tilespmem:s3], [sflag:$0x3] =	stream.linear.gather [hbm4b:s22+s3], $0x80, $0x38;
	[tilespmem:$0x1EA00] =	vst v63  }
0xa1: {  	_ =	swait.ge [sflag:s1], $0x80  }
0xa2: {  	[sflag:s1] =	ssyncset.done $0x0  }
0xa3: {  	s18 =	sadd.s32 s16, s21;
	[sflag:s1] =	ssyncadd.s32 $0xFFFFFF80  }
0xa4: {  	[tilespmem:s5], [sflag:$0x3] =	stream.linear.gather [hbm4b:s18+s3], $0x80, $0x38;
	[tilespmem:$0x1EA00] =	vst v63  }
0xa5: {  	_ =	swait.ge [sflag:s1], $0x80  }
0xa6: {  	[sflag:s1] =	ssyncset.done $0x0  }
0xa7: {  	[sflag:s1] =	ssyncadd.s32 $0xFFFFFF80  }
0xa8: {  	[tilespmem:s6], [sflag:$0x1] =	stream.indirect.gather [hbm4b:s4+s5], $0x80, s3, s5, $0xb8;
	[tilespmem:$0x1EA00] =	vst v63  }
0xa9: {  	_ =	swait.ge [sflag:s14], $0x4000  }
0xaa: {  	[sflag:s14] =	ssyncset.done $0x0  }
0xab: {  	[sflag:s14] =	ssyncadd.s32 $0xFFFFC000  }
0xac: {  	[spmem:s2] =	stream.indirect.scatter.add.f32 [tilespmem:s10], [sflag:$0x3], $0x80, s9, s5, $0xb8;
	[tilespmem:$0x1EA00] =	vst v63  }
0xad: {  	_ =	swait.ge [sflag:s1], $0x4000  }
0xae: {  	[sflag:s1] =	ssyncset.done $0x0  }
0xaf: {  	s19 =	rddreg [dreg:$0x8];
	[sflag:s1] =	ssyncadd.s32 $0xFFFFC000  }
0xb0: {  	[tilespmem:s7], [sflag:$0x3] =	stream.linear.gather [hbm4b:s19+s3], $0x80, $0x38;
	[tilespmem:$0x1EA00] =	vst v63  }
0xb1: {  	_ =	swait.ge [sflag:s1], $0x80  }
0xb2: {  	[sflag:s1] =	ssyncset.done $0x0  }
0xb3: {  	s22 =	rddreg [dreg:$0x9];
	[sflag:s1] =	ssyncadd.s32 $0xFFFFFF80  }
0xb4: {  	[tilespmem:s9], [sflag:$0x3] =	stream.linear.gather [hbm4b:s22+s3], $0x80, $0x38;
	[tilespmem:$0x1EA00] =	vst v63  }
0xb5: {  	_ =	swait.ge [sflag:s1], $0x80  }
0xb6: {  	[sflag:s1] =	ssyncset.done $0x0  }
0xb7: {  	[sflag:s1] =	ssyncadd.s32 $0xFFFFFF80  }
0xb8: {  	[tilespmem:s10], [sflag:$0x2] =	stream.indirect.gather [hbm4b:s4+s5], $0x80, s7, s5, $0xb8;
	[tilespmem:$0x1EA00] =	vst v63  }
0xb9: {  	_ =	swait.ge [sflag:s13], $0x4000  }
0xba: {  	[sflag:s13] =	ssyncset.done $0x0  }
0xbb: {  	[sflag:s13] =	ssyncadd.s32 $0xFFFFC000  }
0xbc: {  	[spmem:s2] =	stream.indirect.scatter.add.f32 [tilespmem:s6], [sflag:$0x3], $0x80, s5, s5, $0xb8;
	[tilespmem:$0x1EA00] =	vst v63  }
0xbd: {  	_ =	swait.ge [sflag:s1], $0x4000  }
0xbe: {  	[sflag:s1] =	ssyncset.done $0x0  }
0xbf: {  	[sflag:s1] =	ssyncadd.s32 $0xFFFFC000  }
0xc0: {  	_ =	swait.ge [sflag:s14], $0x4000  }
0xc1: {  	[sflag:s14] =	ssyncset.done $0x0  }
0xc2: {  	[sflag:s14] =	ssyncadd.s32 $0xFFFFC000  }
0xc3: {  	[spmem:s2] =	stream.indirect.scatter.add.f32 [tilespmem:s10], [sflag:$0x3], $0x80, s9, s5, $0xb8;
	[tilespmem:$0x1EA00] =	vst v63  }
0xc4: {  	_ =	swait.ge [sflag:s1], $0x4000  }
0xc5: {  	[sflag:s1] =	ssyncset.done $0x0  }
0xc6: {  	[sflag:s1] =	ssyncadd.s32 $0xFFFFC000  }
0xc7: {  	[bflag:$0x0] =	sbarrier.arrive $0xFFFF  }
0xc8: {  	[tilespmem:s0], [sflag:$0x3] =	stream.linear.gather [spmem:s8], $0x2800, $0x38;
	[tilespmem:$0x1EA00] =	vst v63  }
0xc9: {  	_ =	swait.ge [sflag:s1], $0x2800  }
0xca: {  	[sflag:s1] =	ssyncset.done $0x0  }
0xcb: {  	s17 =	rddreg [dreg:$0xa];
	[sflag:s1] =	ssyncadd.s32 $0xFFFFD800  }
0xcc: {  	[hbm4b:s17+s3] =	stream.linear.scatter [tilespmem:s0], [sflag:$0x3], $0x2800, $0x38;
	[tilespmem:$0x1EA00] =	vst v63  }
0xcd: {  	_ =	swait.ge [sflag:s1], $0x2800  }
0xce: {  	[sflag:s1] =	ssyncset.done $0x0  }
0xcf: {  	[sflag:s1] =	ssyncadd.s32 $0xFFFFD800  }
0xd0: {  	[tilespmem:s0], [sflag:$0x3] =	stream.linear.gather [spmem:s11], $0x2800, $0x38;
	[tilespmem:$0x1EA00] =	vst v63  }
0xd1: {  	_ =	swait.ge [sflag:s1], $0x2800  }
0xd2: {  	[sflag:s1] =	ssyncset.done $0x0  }
0xd3: {  	s18 =	rddreg [dreg:$0xb];
	[sflag:s1] =	ssyncadd.s32 $0xFFFFD800  }
0xd4: {  	[hbm4b:s18+s3] =	stream.linear.scatter [tilespmem:s0], [sflag:$0x3], $0x2800, $0x38;
	[tilespmem:$0x1EA00] =	vst v63  }
0xd5: {  	_ =	swait.ge [sflag:s1], $0x2800  }
0xd6: {  	[sflag:s1] =	ssyncset.done $0x0  }
0xd7: {  	[sflag:s1] =	ssyncadd.s32 $0xFFFFD800  }
0xd8: {  	[tilespmem:s0], [sflag:$0x3] =	stream.linear.gather [spmem:s12], $0x2800, $0x38;
	[tilespmem:$0x1EA00] =	vst v63  }
0xd9: {  	_ =	swait.ge [sflag:s1], $0x2800  }
0xda: {  	[sflag:s1] =	ssyncset.done $0x0  }
0xdb: {  	s19 =	rddreg [dreg:$0xc];
	[sflag:s1] =	ssyncadd.s32 $0xFFFFD800  }
0xdc: {  	[hbm4b:s19+s3] =	stream.linear.scatter [tilespmem:s0], [sflag:$0x3], $0x2800, $0x38;
	[tilespmem:$0x1EA00] =	vst v63  }
0xdd: {  	_ =	swait.ge [sflag:s1], $0x2800  }
0xde: {  	[sflag:s1] =	ssyncset.done $0x0  }
0xdf: {  	[sflag:s1] =	ssyncadd.s32 $0xFFFFD800  }
0xe0: {  	[tilespmem:s0], [sflag:$0x3] =	stream.linear.gather [spmem:s26], $0x2800, $0x38;
	[tilespmem:$0x1EA00] =	vst v63  }
0xe1: {  	_ =	swait.ge [sflag:s1], $0x2800  }
0xe2: {  	[sflag:s1] =	ssyncset.done $0x0  }
0xe3: {  	s22 =	rddreg [dreg:$0xd];
	[sflag:s1] =	ssyncadd.s32 $0xFFFFD800  }
0xe4: {  	[hbm4b:s22+s3] =	stream.linear.scatter [tilespmem:s0], [sflag:$0x3], $0x2800, $0x38;
	[tilespmem:$0x1EA00] =	vst v63  }
0xe5: {  	_ =	swait.ge [sflag:s1], $0x2800  }
0xe6: {  	[sflag:s1] =	ssyncset.done $0x0  }
0xe7: {  	[sflag:s1] =	ssyncadd.s32 $0xFFFFD800  }
0xe8: {  	[tilespmem:s0], [sflag:$0x3] =	stream.linear.gather [spmem:s28], $0x2800, $0x38;
	[tilespmem:$0x1EA00] =	vst v63  }
0xe9: {  	_ =	swait.ge [sflag:s1], $0x2800  }
0xea: {  	[sflag:s1] =	ssyncset.done $0x0  }
0xeb: {  	s17 =	rddreg [dreg:$0xe];
	[sflag:s1] =	ssyncadd.s32 $0xFFFFD800  }
0xec: {  	[hbm4b:s17+s3] =	stream.linear.scatter [tilespmem:s0], [sflag:$0x3], $0x2800, $0x38;
	[tilespmem:$0x1EA00] =	vst v63  }
0xed: {  	_ =	swait.ge [sflag:s1], $0x2800  }
0xee: {  	[sflag:s1] =	ssyncset.done $0x0  }
0xef: {  	[sflag:s1] =	ssyncadd.s32 $0xFFFFD800  }
0xf0: {  	[tilespmem:s0], [sflag:$0x3] =	stream.linear.gather [spmem:s29], $0x2800, $0x38;
	[tilespmem:$0x1EA00] =	vst v63  }
0xf1: {  	_ =	swait.ge [sflag:s1], $0x2800  }
0xf2: {  	[sflag:s1] =	ssyncset.done $0x0  }
0xf3: {  	s18 =	rddreg [dreg:$0xf];
	[sflag:s1] =	ssyncadd.s32 $0xFFFFD800  }
0xf4: {  	[hbm4b:s18+s3] =	stream.linear.scatter [tilespmem:s0], [sflag:$0x3], $0x2800, $0x38;
	[tilespmem:$0x1EA00] =	vst v63  }
0xf5: {  	_ =	swait.ge [sflag:s1], $0x2800  }
0xf6: {  	[sflag:s1] =	ssyncset.done $0x0  }
0xf7: {  	[sflag:s1] =	ssyncadd.s32 $0xFFFFD800  }
0xf8: {  	[tilespmem:s0], [sflag:$0x3] =	stream.linear.gather [spmem:s30], $0x2800, $0x38;
	[tilespmem:$0x1EA00] =	vst v63  }
0xf9: {  	_ =	swait.ge [sflag:s1], $0x2800  }
0xfa: {  	[sflag:s1] =	ssyncset.done $0x0  }
0xfb: {  	s19 =	rddreg [dreg:$0x10];
	[sflag:s1] =	ssyncadd.s32 $0xFFFFD800  }
0xfc: {  	[hbm4b:s19+s3] =	stream.linear.scatter [tilespmem:s0], [sflag:$0x3], $0x2800, $0x38;
	[tilespmem:$0x1EA00] =	vst v63  }
0xfd: {  	_ =	swait.ge [sflag:s1], $0x2800  }
0xfe: {  	[sflag:s1] =	ssyncset.done $0x0  }
0xff: {  	[sflag:s1] =	ssyncadd.s32 $0xFFFFD800  }
0x100: {  	[tilespmem:s0], [sflag:$0x3] =	stream.linear.gather [spmem:s31], $0x2800, $0x38;
	[tilespmem:$0x1EA00] =	vst v63  }
0x101: {  	_ =	swait.ge [sflag:s1], $0x2800  }
0x102: {  	[sflag:s1] =	ssyncset.done $0x0  }
0x103: {  	[sflag:s1] =	ssyncadd.s32 $0xFFFFD800  }
0x104: {  	[hbm4b:s23+s3] =	stream.linear.scatter [tilespmem:s0], [sflag:$0x3], $0x2800, $0x38;
	[tilespmem:$0x1EA00] =	vst v63  }
0x105: {  	_ =	swait.ge [sflag:s1], $0x2800  }
0x106: {  	s15 =	sadd.s32 $0x1, s15;
	s22 =	rddreg [dreg:$0x7]  }
0x107: {  	p0 =	sne.s32 s15, s22  }
.Ltmp1:
0x108: {  	_ = 	snop;
	(pc) =	sbr.rel @p0 .LBB2_1-.Ltmp1, $3  }
0x109: {  	_ =	sdelay $0x1  }
0x10a: {  	[sflag:s1] =	ssyncset.done $0x0  }
0x10b: {  	[sflag:s1] =	ssyncadd.s32 $0xFFFFD800  }
0x10c: {  	_ =	sfence.sel $0x180000  }
0x10d: {  	[bflag:$0x0] =	sbarrier.arrive $0xFFFF  }
0x10e: {  	_ =	strace $0x9000004A  }
0x10f: {  	s0 =	stileid.u32;
	[bflag:$0x2] =	sbarrier.arrive $0xFFFF  }
0x110: {  	p0 =	sne.s32 s0, $0x0;
	s0 =	rddreg [dreg:$0x3]  }
0x111: {  	s0 =	sadd.s32 @!p0 $0x100000, s0  }
0x112: {  	[sflag:s0] =	ssyncadd.tile.s32 @!p0 $0x1;
	_ =	shalt  }
.Lfunc_end2:
_tile_overlayer_lowered:
.L_overlay_start_2:
0x113: {  	(tag) =	ssettag $0x2  }
0x114: {  	s0 =	rddreg [dreg:$0x0];
	s2 =	stileid.u32  }
0x115: {  	s1 =	rddreg [dreg:$0x1];
	p0 =	sne.s32 s2, $0x0  }
0x116: {  	s3 =	rddreg [dreg:$0x2];
	[bflag:$0x3] =	sbarrier.arrive $0xFFFF;
	s2 =	simm.s32 @!p0 $0x1C03  }
0x117: {  	[timem:s3], [sflag:s2] =	dma.local @!p0 [hbm:s0], s1  }
0x118: {  	s0 =	simm.s32 @!p0 $0x3  }
0x119: {  	_ =	swait.ge @!p0 [sflag:s0], s1  }
0x11a: {  	s1 =	ssub.s32 @!p0 $0x0, s1;
	[sflag:s0] =	ssyncset.done @!p0 $0x0  }
0x11b: {  	[sflag:s0] =	ssyncadd.s32 @!p0 s1  }
0x11c: {  	[bflag:$0x3] =	sbarrier.arrive $0xFFFF  }
0x11d: {  	_ =	shalt  }

</sc_bundles>
